<compile_context>
chip_gen: v7x
topology: tpu7x:2x2x1
jax: 0.10.2.dev20260603
libtpu: 0.0.44.dev20260713+nightly
codegen_flags: <defaults>
</compile_context>

<pallas_src>
import functools

import jax
import jax.numpy as jnp
from jax import lax
from jax.experimental import pallas as pl
from jax.experimental.pallas import tpu as pltpu
from jax.experimental.pallas import tpu_sc as plsc

_N = 16384
_V = 1000000
_E = 10
_OUT = 4
_BK = 125056
_NBK = 8
_HP = _BK * _NBK
_SLICE = _HP // 16
_ZCH = 4096

_mesh = plsc.VectorSubcoreMesh(core_axis_name="c", subcore_axis_name="s")


@functools.partial(
    pl.kernel,
    out_type=jax.ShapeDtypeStruct((_HP,), jnp.float32),
    mesh=_mesh,
    compiler_params=pltpu.CompilerParams(
        needs_layout_passes=False, use_tc_tiling_on_sc=False),
    scratch_types=[
        pltpu.VMEM((_ZCH,), jnp.float32),
        pltpu.VMEM((128,), jnp.float32),
        pltpu.VMEM((8, 128), jnp.int32),
        pltpu.VMEM_SHARED((_HP,), jnp.float32),
    ],
)
def _sc_hist(text_hbm, hist_hbm, zbuf_v, ones_v, idx2d_v, hist_sp):
    c = lax.axis_index("c")
    s = lax.axis_index("s")

    @pl.when(c == 0)
    def _():
        zv = jnp.zeros((16,), jnp.float32)
        for i in range(_ZCH // 16):
            zbuf_v[pl.ds(i * 16, 16)] = zv
        for i in range(8):
            ones_v[pl.ds(i * 16, 16)] = jnp.ones((16,), jnp.float32)
        base = s * _SLICE
        nfull = _SLICE // _ZCH
        for i in range(nfull):
            pltpu.sync_copy(zbuf_v, hist_sp.at[pl.ds(base + i * _ZCH, _ZCH)])
        rem = _SLICE - nfull * _ZCH
        if rem:
            pltpu.sync_copy(zbuf_v.at[pl.ds(0, rem)],
                            hist_sp.at[pl.ds(base + nfull * _ZCH, rem)])
        for g in range(8):
            pltpu.sync_copy(text_hbm.at[pl.ds(s * 1024 + g * 128, 128)],
                            idx2d_v.at[g])

    plsc.subcore_barrier()

    @pl.when(c == 0)
    def _():
        for g in range(8):
            pltpu.sync_copy(ones_v, hist_sp.at[idx2d_v.at[g]], add=True)

    plsc.subcore_barrier()

    @pl.when(c == 0)
    def _():
        base = s * _SLICE
        pltpu.sync_copy(hist_sp.at[pl.ds(base, _SLICE)],
                        hist_hbm.at[pl.ds(base, _SLICE)])


def _tc_body(h_ref, tb_ref, w_ref, b4_ref, out_ref, acc_ref):
    k = pl.program_id(0)

    @pl.when(k == 0)
    def _():
        acc_ref[...] = jnp.zeros((_E, 1), jnp.float32)

    h = h_ref[...]
    dn = (((1,), (1,)), ((), ()))

    @pl.when(k < _NBK - 1)
    def _():
        acc_ref[...] += jax.lax.dot_general(
            tb_ref[...], h, dn, preferred_element_type=jnp.float32)

    @pl.when(k == _NBK - 1)
    def _():
        valid = _V - (_NBK - 1) * _BK
        m = lax.broadcasted_iota(jnp.int32, (_E, _BK), 1) < valid
        tb = jnp.where(m, tb_ref[...], 0.0)
        acc = acc_ref[...] + jax.lax.dot_general(
            tb, h, dn, preferred_element_type=jnp.float32)
        y4 = jax.lax.dot_general(
            w_ref[...], acc, (((1,), (0,)), ((), ())),
            preferred_element_type=jnp.float32) * (1.0 / _N)
        bcol = b4_ref[:, 0:1]
        colio = lax.broadcasted_iota(jnp.int32, (_OUT, _N), 1)
        out_ref[...] = jnp.where(
            colio == _N - 1,
            jnp.broadcast_to(y4 + bcol, (_OUT, _N)),
            jnp.broadcast_to(bcol, (_OUT, _N)))


_tc_mv = pl.pallas_call(
    _tc_body,
    grid=(_NBK,),
    in_specs=[
        pl.BlockSpec((1, _BK), lambda k: (0, k)),
        pl.BlockSpec((_E, _BK), lambda k: (0, k)),
        pl.BlockSpec((_OUT, _E), lambda k: (0, 0)),
        pl.BlockSpec((_OUT, 128), lambda k: (0, 0)),
    ],
    out_specs=pl.BlockSpec((_OUT, _N), lambda k: (0, 0)),
    out_shape=jax.ShapeDtypeStruct((_OUT, _N), jnp.float32),
    scratch_shapes=[pltpu.VMEM((_E, 1), jnp.float32)],
)


@jax.jit
def kernel(text, table, W, b):
    hist = _sc_hist(text.astype(jnp.int32))
    b4 = jnp.broadcast_to(b.astype(jnp.float32)[:, None], (_OUT, 128))
    out_t = _tc_mv(hist.reshape(1, _HP), table.astype(jnp.float32).T,
                   W.astype(jnp.float32), b4)
    return out_t.T

# --- scband reference (transcript-rebuilt; emitter-appended) ---
"""Pipeline reference for scband-bag-of-words-30751965839838 (READ-ONLY COPY).

The authoritative reference and input builder live on the scoring server;
editing this copy changes nothing except your own understanding.
"""

import jax, jax.numpy as jnp
import numpy as np

VOCAB = 1000000
EMB = 10
OUT = 4
N = 16384

def setup_inputs(seed: int = 0) -> dict:
    key = jax.random.key(seed)
    k1, k2, k3, k4 = jax.random.split(key, 4)
    text = jax.random.randint(k1, (N,), 0, VOCAB, dtype=jnp.int64)
    table = jax.random.normal(k2, (VOCAB, EMB), dtype=jnp.float32)
    W = jax.random.normal(k3, (OUT, EMB), dtype=jnp.float32) * (1.0 / np.sqrt(EMB))
    b = jax.random.normal(k4, (OUT,), dtype=jnp.float32) * 0.01
    return {"text": text, "table": table, "W": W, "b": b}

def reference(text, table, W, b):
    # Faithful translation of torch.nn.EmbeddingBag(vocab, 10) called with
    # 1-D input `text` and offsets = zeros_like(text) (mode='mean').
    # Element j belongs to bag i where offsets[i] <= j < offsets[i+1];
    # with all-zero offsets every element lands in the last bag; all other
    # bags are empty and produce zeros.
    n = text.shape[0]
    offsets = jnp.zeros((n,), dtype=jnp.int32)
    emb = jnp.take(table, text, axis=0)  # gather [N, 10]
    positions = jnp.arange(n)
    seg_ids = jnp.searchsorted(offsets, positions, side='right') - 1
    sums = jax.ops.segment_sum(emb, seg_ids, num_segments=n)
    counts = jax.ops.segment_sum(jnp.ones((n,), dtype=jnp.float32), seg_ids, num_segments=n)
    means = sums / jnp.maximum(counts, 1.0)[:, None]  # empty bags -> 0
    x = means @ W.T + b
    return x

if __name__ == "__main__":
    import jax
    _d = setup_inputs()
    print(jax.jit(kernel)(*tuple(_d.values())))

</pallas_src>

<mosaic_0001>
#map = affine_map<(d0, d1) -> (0)>
module attributes {stable_mosaic.version = 14 : i64} {
  func.func @_sc_hist(%arg0: i32, %arg1: i32, %arg2: memref<16384xi32, #tpu.memory_space<hbm>>, %arg3: memref<1000448xf32, #tpu.memory_space<hbm>>, %arg4: memref<4096xf32, #tpu.memory_space<vmem>>, %arg5: memref<128xf32, #tpu.memory_space<vmem>>, %arg6: memref<8x128xi32, #tpu.memory_space<vmem>>, %arg7: memref<1000448xf32, #tpu.memory_space<vmem_shared>>) attributes {dimension_semantics = [#tpu.dimension_semantics<core_parallel>, #tpu.dimension_semantics<subcore_parallel>], iteration_bounds = array<i64: 2, 16>, scalar_prefetch = 0 : i64, scratch_operands = 4 : i64, tpu.core_type = #tpu.core_type<sc_vector_subcore>, window_params = [{transform_indices = #map}, {transform_indices = #map}]} {
    %eq3A = arith.constant 0 : i32
    %eq3A_0 = arith.cmpi eq, %arg0, %eq3A : i32
    %convert_element_type3A = arith.extui %eq3A_0 : i1 to i32
    %cond3A = arith.constant 0 : i32
    %cond3A_1 = arith.cmpi ne, %convert_element_type3A, %cond3A : i32
    scf.if %cond3A_1 {
      %broadcast_in_dim3A = arith.constant 0.000000e+00 : f32
      %broadcast_in_dim3A_13 = vector.broadcast %broadcast_in_dim3A : f32 to vector<16xf32>
      %swap3A = arith.constant 0 : index
      %swap3A_14 = tpu.vector_load %arg4[%swap3A] {strides = array<i32>} : memref<4096xf32, #tpu.memory_space<vmem>>, vector<16xf32>,
      tpu.vector_store %arg4[%swap3A], %broadcast_in_dim3A_13 {strides = array<i32>} : memref<4096xf32, #tpu.memory_space<vmem>>, vector<16xf32>,
      %swap3A_15 = arith.constant 16 : index
      %swap3A_16 = tpu.vector_load %arg4[%swap3A_15] {strides = array<i32>} : memref<4096xf32, #tpu.memory_space<vmem>>, vector<16xf32>,
      tpu.vector_store %arg4[%swap3A_15], %broadcast_in_dim3A_13 {strides = array<i32>} : memref<4096xf32, #tpu.memory_space<vmem>>, vector<16xf32>,
      %swap3A_17 = arith.constant 32 : index
      %swap3A_18 = tpu.vector_load %arg4[%swap3A_17] {strides = array<i32>} : memref<4096xf32, #tpu.memory_space<vmem>>, vector<16xf32>,
      tpu.vector_store %arg4[%swap3A_17], %broadcast_in_dim3A_13 {strides = array<i32>} : memref<4096xf32, #tpu.memory_space<vmem>>, vector<16xf32>,
      %swap3A_19 = arith.constant 48 : index
      %swap3A_20 = tpu.vector_load %arg4[%swap3A_19] {strides = array<i32>} : memref<4096xf32, #tpu.memory_space<vmem>>, vector<16xf32>,
      tpu.vector_store %arg4[%swap3A_19], %broadcast_in_dim3A_13 {strides = array<i32>} : memref<4096xf32, #tpu.memory_space<vmem>>, vector<16xf32>,
      %swap3A_21 = arith.constant 64 : index
      %swap3A_22 = tpu.vector_load %arg4[%swap3A_21] {strides = array<i32>} : memref<4096xf32, #tpu.memory_space<vmem>>, vector<16xf32>,
      tpu.vector_store %arg4[%swap3A_21], %broadcast_in_dim3A_13 {strides = array<i32>} : memref<4096xf32, #tpu.memory_space<vmem>>, vector<16xf32>,
      %swap3A_23 = arith.constant 80 : index
      %swap3A_24 = tpu.vector_load %arg4[%swap3A_23] {strides = array<i32>} : memref<4096xf32, #tpu.memory_space<vmem>>, vector<16xf32>,
      tpu.vector_store %arg4[%swap3A_23], %broadcast_in_dim3A_13 {strides = array<i32>} : memref<4096xf32, #tpu.memory_space<vmem>>, vector<16xf32>,
      %swap3A_25 = arith.constant 96 : index
      %swap3A_26 = tpu.vector_load %arg4[%swap3A_25] {strides = array<i32>} : memref<4096xf32, #tpu.memory_space<vmem>>, vector<16xf32>,
      tpu.vector_store %arg4[%swap3A_25], %broadcast_in_dim3A_13 {strides = array<i32>} : memref<4096xf32, #tpu.memory_space<vmem>>, vector<16xf32>,
      %swap3A_27 = arith.constant 112 : index
      %swap3A_28 = tpu.vector_load %arg4[%swap3A_27] {strides = array<i32>} : memref<4096xf32, #tpu.memory_space<vmem>>, vector<16xf32>,
      tpu.vector_store %arg4[%swap3A_27], %broadcast_in_dim3A_13 {strides = array<i32>} : memref<4096xf32, #tpu.memory_space<vmem>>, vector<16xf32>,
      %swap3A_29 = arith.constant 128 : index
      %swap3A_30 = tpu.vector_load %arg4[%swap3A_29] {strides = array<i32>} : memref<4096xf32, #tpu.memory_space<vmem>>, vector<16xf32>,
      tpu.vector_store %arg4[%swap3A_29], %broadcast_in_dim3A_13 {strides = array<i32>} : memref<4096xf32, #tpu.memory_space<vmem>>, vector<16xf32>,
      %swap3A_31 = arith.constant 144 : index
      %swap3A_32 = tpu.vector_load %arg4[%swap3A_31] {strides = array<i32>} : memref<4096xf32, #tpu.memory_space<vmem>>, vector<16xf32>,
      tpu.vector_store %arg4[%swap3A_31], %broadcast_in_dim3A_13 {strides = array<i32>} : memref<4096xf32, #tpu.memory_space<vmem>>, vector<16xf32>,
      %swap3A_33 = arith.constant 160 : index
      %swap3A_34 = tpu.vector_load %arg4[%swap3A_33] {strides = array<i32>} : memref<4096xf32, #tpu.memory_space<vmem>>, vector<16xf32>,
      tpu.vector_store %arg4[%swap3A_33], %broadcast_in_dim3A_13 {strides = array<i32>} : memref<4096xf32, #tpu.memory_space<vmem>>, vector<16xf32>,
      %swap3A_35 = arith.constant 176 : index
      %swap3A_36 = tpu.vector_load %arg4[%swap3A_35] {strides = array<i32>} : memref<4096xf32, #tpu.memory_space<vmem>>, vector<16xf32>,
      tpu.vector_store %arg4[%swap3A_35], %broadcast_in_dim3A_13 {strides = array<i32>} : memref<4096xf32, #tpu.memory_space<vmem>>, vector<16xf32>,
      %swap3A_37 = arith.constant 192 : index
      %swap3A_38 = tpu.vector_load %arg4[%swap3A_37] {strides = array<i32>} : memref<4096xf32, #tpu.memory_space<vmem>>, vector<16xf32>,
      tpu.vector_store %arg4[%swap3A_37], %broadcast_in_dim3A_13 {strides = array<i32>} : memref<4096xf32, #tpu.memory_space<vmem>>, vector<16xf32>,
      %swap3A_39 = arith.constant 208 : index
      %swap3A_40 = tpu.vector_load %arg4[%swap3A_39] {strides = array<i32>} : memref<4096xf32, #tpu.memory_space<vmem>>, vector<16xf32>,
      tpu.vector_store %arg4[%swap3A_39], %broadcast_in_dim3A_13 {strides = array<i32>} : memref<4096xf32, #tpu.memory_space<vmem>>, vector<16xf32>,
      %swap3A_41 = arith.constant 224 : index
      %swap3A_42 = tpu.vector_load %arg4[%swap3A_41] {strides = array<i32>} : memref<4096xf32, #tpu.memory_space<vmem>>, vector<16xf32>,
      tpu.vector_store %arg4[%swap3A_41], %broadcast_in_dim3A_13 {strides = array<i32>} : memref<4096xf32, #tpu.memory_space<vmem>>, vector<16xf32>,
      %swap3A_43 = arith.constant 240 : index
      %swap3A_44 = tpu.vector_load %arg4[%swap3A_43] {strides = array<i32>} : memref<4096xf32, #tpu.memory_space<vmem>>, vector<16xf32>,
      tpu.vector_store %arg4[%swap3A_43], %broadcast_in_dim3A_13 {strides = array<i32>} : memref<4096xf32, #tpu.memory_space<vmem>>, vector<16xf32>,
      %swap3A_45 = arith.constant 256 : index
      %swap3A_46 = tpu.vector_load %arg4[%swap3A_45] {strides = array<i32>} : memref<4096xf32, #tpu.memory_space<vmem>>, vector<16xf32>,
      tpu.vector_store %arg4[%swap3A_45], %broadcast_in_dim3A_13 {strides = array<i32>} : memref<4096xf32, #tpu.memory_space<vmem>>, vector<16xf32>,
      %swap3A_47 = arith.constant 272 : index
      %swap3A_48 = tpu.vector_load %arg4[%swap3A_47] {strides = array<i32>} : memref<4096xf32, #tpu.memory_space<vmem>>, vector<16xf32>,
      tpu.vector_store %arg4[%swap3A_47], %broadcast_in_dim3A_13 {strides = array<i32>} : memref<4096xf32, #tpu.memory_space<vmem>>, vector<16xf32>,
      %swap3A_49 = arith.constant 288 : index
      %swap3A_50 = tpu.vector_load %arg4[%swap3A_49] {strides = array<i32>} : memref<4096xf32, #tpu.memory_space<vmem>>, vector<16xf32>,
      tpu.vector_store %arg4[%swap3A_49], %broadcast_in_dim3A_13 {strides = array<i32>} : memref<4096xf32, #tpu.memory_space<vmem>>, vector<16xf32>,
      %swap3A_51 = arith.constant 304 : index
      %swap3A_52 = tpu.vector_load %arg4[%swap3A_51] {strides = array<i32>} : memref<4096xf32, #tpu.memory_space<vmem>>, vector<16xf32>,
      tpu.vector_store %arg4[%swap3A_51], %broadcast_in_dim3A_13 {strides = array<i32>} : memref<4096xf32, #tpu.memory_space<vmem>>, vector<16xf32>,
      %swap3A_53 = arith.constant 320 : index
      %swap3A_54 = tpu.vector_load %arg4[%swap3A_53] {strides = array<i32>} : memref<4096xf32, #tpu.memory_space<vmem>>, vector<16xf32>,
      tpu.vector_store %arg4[%swap3A_53], %broadcast_in_dim3A_13 {strides = array<i32>} : memref<4096xf32, #tpu.memory_space<vmem>>, vector<16xf32>,
      %swap3A_55 = arith.constant 336 : index
      %swap3A_56 = tpu.vector_load %arg4[%swap3A_55] {strides = array<i32>} : memref<4096xf32, #tpu.memory_space<vmem>>, vector<16xf32>,
      tpu.vector_store %arg4[%swap3A_55], %broadcast_in_dim3A_13 {strides = array<i32>} : memref<4096xf32, #tpu.memory_space<vmem>>, vector<16xf32>,
      %swap3A_57 = arith.constant 352 : index
      %swap3A_58 = tpu.vector_load %arg4[%swap3A_57] {strides = array<i32>} : memref<4096xf32, #tpu.memory_space<vmem>>, vector<16xf32>,
      tpu.vector_store %arg4[%swap3A_57], %broadcast_in_dim3A_13 {strides = array<i32>} : memref<4096xf32, #tpu.memory_space<vmem>>, vector<16xf32>,
      %swap3A_59 = arith.constant 368 : index
      %swap3A_60 = tpu.vector_load %arg4[%swap3A_59] {strides = array<i32>} : memref<4096xf32, #tpu.memory_space<vmem>>, vector<16xf32>,
      tpu.vector_store %arg4[%swap3A_59], %broadcast_in_dim3A_13 {strides = array<i32>} : memref<4096xf32, #tpu.memory_space<vmem>>, vector<16xf32>,
      %swap3A_61 = arith.constant 384 : index
      %swap3A_62 = tpu.vector_load %arg4[%swap3A_61] {strides = array<i32>} : memref<4096xf32, #tpu.memory_space<vmem>>, vector<16xf32>,
      tpu.vector_store %arg4[%swap3A_61], %broadcast_in_dim3A_13 {strides = array<i32>} : memref<4096xf32, #tpu.memory_space<vmem>>, vector<16xf32>,
      %swap3A_63 = arith.constant 400 : index
      %swap3A_64 = tpu.vector_load %arg4[%swap3A_63] {strides = array<i32>} : memref<4096xf32, #tpu.memory_space<vmem>>, vector<16xf32>,
      tpu.vector_store %arg4[%swap3A_63], %broadcast_in_dim3A_13 {strides = array<i32>} : memref<4096xf32, #tpu.memory_space<vmem>>, vector<16xf32>,
      %swap3A_65 = arith.constant 416 : index
      %swap3A_66 = tpu.vector_load %arg4[%swap3A_65] {strides = array<i32>} : memref<4096xf32, #tpu.memory_space<vmem>>, vector<16xf32>,
      tpu.vector_store %arg4[%swap3A_65], %broadcast_in_dim3A_13 {strides = array<i32>} : memref<4096xf32, #tpu.memory_space<vmem>>, vector<16xf32>,
      %swap3A_67 = arith.constant 432 : index
      %swap3A_68 = tpu.vector_load %arg4[%swap3A_67] {strides = array<i32>} : memref<4096xf32, #tpu.memory_space<vmem>>, vector<16xf32>,
      tpu.vector_store %arg4[%swap3A_67], %broadcast_in_dim3A_13 {strides = array<i32>} : memref<4096xf32, #tpu.memory_space<vmem>>, vector<16xf32>,
      %swap3A_69 = arith.constant 448 : index
      %swap3A_70 = tpu.vector_load %arg4[%swap3A_69] {strides = array<i32>} : memref<4096xf32, #tpu.memory_space<vmem>>, vector<16xf32>,
      tpu.vector_store %arg4[%swap3A_69], %broadcast_in_dim3A_13 {strides = array<i32>} : memref<4096xf32, #tpu.memory_space<vmem>>, vector<16xf32>,
      %swap3A_71 = arith.constant 464 : index
      %swap3A_72 = tpu.vector_load %arg4[%swap3A_71] {strides = array<i32>} : memref<4096xf32, #tpu.memory_space<vmem>>, vector<16xf32>,
      tpu.vector_store %arg4[%swap3A_71], %broadcast_in_dim3A_13 {strides = array<i32>} : memref<4096xf32, #tpu.memory_space<vmem>>, vector<16xf32>,
      %swap3A_73 = arith.constant 480 : index
      %swap3A_74 = tpu.vector_load %arg4[%swap3A_73] {strides = array<i32>} : memref<4096xf32, #tpu.memory_space<vmem>>, vector<16xf32>,
      tpu.vector_store %arg4[%swap3A_73], %broadcast_in_dim3A_13 {strides = array<i32>} : memref<4096xf32, #tpu.memory_space<vmem>>, vector<16xf32>,
      %swap3A_75 = arith.constant 496 : index
      %swap3A_76 = tpu.vector_load %arg4[%swap3A_75] {strides = array<i32>} : memref<4096xf32, #tpu.memory_space<vmem>>, vector<16xf32>,
      tpu.vector_store %arg4[%swap3A_75], %broadcast_in_dim3A_13 {strides = array<i32>} : memref<4096xf32, #tpu.memory_space<vmem>>, vector<16xf32>,
      %swap3A_77 = arith.constant 512 : index
      %swap3A_78 = tpu.vector_load %arg4[%swap3A_77] {strides = array<i32>} : memref<4096xf32, #tpu.memory_space<vmem>>, vector<16xf32>,
      tpu.vector_store %arg4[%swap3A_77], %broadcast_in_dim3A_13 {strides = array<i32>} : memref<4096xf32, #tpu.memory_space<vmem>>, vector<16xf32>,
      %swap3A_79 = arith.constant 528 : index
      %swap3A_80 = tpu.vector_load %arg4[%swap3A_79] {strides = array<i32>} : memref<4096xf32, #tpu.memory_space<vmem>>, vector<16xf32>,
      tpu.vector_store %arg4[%swap3A_79], %broadcast_in_dim3A_13 {strides = array<i32>} : memref<4096xf32, #tpu.memory_space<vmem>>, vector<16xf32>,
      %swap3A_81 = arith.constant 544 : index
      %swap3A_82 = tpu.vector_load %arg4[%swap3A_81] {strides = array<i32>} : memref<4096xf32, #tpu.memory_space<vmem>>, vector<16xf32>,
      tpu.vector_store %arg4[%swap3A_81], %broadcast_in_dim3A_13 {strides = array<i32>} : memref<4096xf32, #tpu.memory_space<vmem>>, vector<16xf32>,
      %swap3A_83 = arith.constant 560 : index
      %swap3A_84 = tpu.vector_load %arg4[%swap3A_83] {strides = array<i32>} : memref<4096xf32, #tpu.memory_space<vmem>>, vector<16xf32>,
      tpu.vector_store %arg4[%swap3A_83], %broadcast_in_dim3A_13 {strides = array<i32>} : memref<4096xf32, #tpu.memory_space<vmem>>, vector<16xf32>,
      %swap3A_85 = arith.constant 576 : index
      %swap3A_86 = tpu.vector_load %arg4[%swap3A_85] {strides = array<i32>} : memref<4096xf32, #tpu.memory_space<vmem>>, vector<16xf32>,
      tpu.vector_store %arg4[%swap3A_85], %broadcast_in_dim3A_13 {strides = array<i32>} : memref<4096xf32, #tpu.memory_space<vmem>>, vector<16xf32>,
      %swap3A_87 = arith.constant 592 : index
      %swap3A_88 = tpu.vector_load %arg4[%swap3A_87] {strides = array<i32>} : memref<4096xf32, #tpu.memory_space<vmem>>, vector<16xf32>,
      tpu.vector_store %arg4[%swap3A_87], %broadcast_in_dim3A_13 {strides = array<i32>} : memref<4096xf32, #tpu.memory_space<vmem>>, vector<16xf32>,
      %swap3A_89 = arith.constant 608 : index
      %swap3A_90 = tpu.vector_load %arg4[%swap3A_89] {strides = array<i32>} : memref<4096xf32, #tpu.memory_space<vmem>>, vector<16xf32>,
      tpu.vector_store %arg4[%swap3A_89], %broadcast_in_dim3A_13 {strides = array<i32>} : memref<4096xf32, #tpu.memory_space<vmem>>, vector<16xf32>,
      %swap3A_91 = arith.constant 624 : index
      %swap3A_92 = tpu.vector_load %arg4[%swap3A_91] {strides = array<i32>} : memref<4096xf32, #tpu.memory_space<vmem>>, vector<16xf32>,
      tpu.vector_store %arg4[%swap3A_91], %broadcast_in_dim3A_13 {strides = array<i32>} : memref<4096xf32, #tpu.memory_space<vmem>>, vector<16xf32>,
      %swap3A_93 = arith.constant 640 : index
      %swap3A_94 = tpu.vector_load %arg4[%swap3A_93] {strides = array<i32>} : memref<4096xf32, #tpu.memory_space<vmem>>, vector<16xf32>,
      tpu.vector_store %arg4[%swap3A_93], %broadcast_in_dim3A_13 {strides = array<i32>} : memref<4096xf32, #tpu.memory_space<vmem>>, vector<16xf32>,
      %swap3A_95 = arith.constant 656 : index
      %swap3A_96 = tpu.vector_load %arg4[%swap3A_95] {strides = array<i32>} : memref<4096xf32, #tpu.memory_space<vmem>>, vector<16xf32>,
      tpu.vector_store %arg4[%swap3A_95], %broadcast_in_dim3A_13 {strides = array<i32>} : memref<4096xf32, #tpu.memory_space<vmem>>, vector<16xf32>,
      %swap3A_97 = arith.constant 672 : index
      %swap3A_98 = tpu.vector_load %arg4[%swap3A_97] {strides = array<i32>} : memref<4096xf32, #tpu.memory_space<vmem>>, vector<16xf32>,
      tpu.vector_store %arg4[%swap3A_97], %broadcast_in_dim3A_13 {strides = array<i32>} : memref<4096xf32, #tpu.memory_space<vmem>>, vector<16xf32>,
      %swap3A_99 = arith.constant 688 : index
      %swap3A_100 = tpu.vector_load %arg4[%swap3A_99] {strides = array<i32>} : memref<4096xf32, #tpu.memory_space<vmem>>, vector<16xf32>,
      tpu.vector_store %arg4[%swap3A_99], %broadcast_in_dim3A_13 {strides = array<i32>} : memref<4096xf32, #tpu.memory_space<vmem>>, vector<16xf32>,
      %swap3A_101 = arith.constant 704 : index
      %swap3A_102 = tpu.vector_load %arg4[%swap3A_101] {strides = array<i32>} : memref<4096xf32, #tpu.memory_space<vmem>>, vector<16xf32>,
      tpu.vector_store %arg4[%swap3A_101], %broadcast_in_dim3A_13 {strides = array<i32>} : memref<4096xf32, #tpu.memory_space<vmem>>, vector<16xf32>,
      %swap3A_103 = arith.constant 720 : index
      %swap3A_104 = tpu.vector_load %arg4[%swap3A_103] {strides = array<i32>} : memref<4096xf32, #tpu.memory_space<vmem>>, vector<16xf32>,
      tpu.vector_store %arg4[%swap3A_103], %broadcast_in_dim3A_13 {strides = array<i32>} : memref<4096xf32, #tpu.memory_space<vmem>>, vector<16xf32>,
      %swap3A_105 = arith.constant 736 : index
      %swap3A_106 = tpu.vector_load %arg4[%swap3A_105] {strides = array<i32>} : memref<4096xf32, #tpu.memory_space<vmem>>, vector<16xf32>,
      tpu.vector_store %arg4[%swap3A_105], %broadcast_in_dim3A_13 {strides = array<i32>} : memref<4096xf32, #tpu.memory_space<vmem>>, vector<16xf32>,
      %swap3A_107 = arith.constant 752 : index
      %swap3A_108 = tpu.vector_load %arg4[%swap3A_107] {strides = array<i32>} : memref<4096xf32, #tpu.memory_space<vmem>>, vector<16xf32>,
      tpu.vector_store %arg4[%swap3A_107], %broadcast_in_dim3A_13 {strides = array<i32>} : memref<4096xf32, #tpu.memory_space<vmem>>, vector<16xf32>,
      %swap3A_109 = arith.constant 768 : index
      %swap3A_110 = tpu.vector_load %arg4[%swap3A_109] {strides = array<i32>} : memref<4096xf32, #tpu.memory_space<vmem>>, vector<16xf32>,
      tpu.vector_store %arg4[%swap3A_109], %broadcast_in_dim3A_13 {strides = array<i32>} : memref<4096xf32, #tpu.memory_space<vmem>>, vector<16xf32>,
      %swap3A_111 = arith.constant 784 : index
      %swap3A_112 = tpu.vector_load %arg4[%swap3A_111] {strides = array<i32>} : memref<4096xf32, #tpu.memory_space<vmem>>, vector<16xf32>,
      tpu.vector_store %arg4[%swap3A_111], %broadcast_in_dim3A_13 {strides = array<i32>} : memref<4096xf32, #tpu.memory_space<vmem>>, vector<16xf32>,
      %swap3A_113 = arith.constant 800 : index
      %swap3A_114 = tpu.vector_load %arg4[%swap3A_113] {strides = array<i32>} : memref<4096xf32, #tpu.memory_space<vmem>>, vector<16xf32>,
      tpu.vector_store %arg4[%swap3A_113], %broadcast_in_dim3A_13 {strides = array<i32>} : memref<4096xf32, #tpu.memory_space<vmem>>, vector<16xf32>,
      %swap3A_115 = arith.constant 816 : index
      %swap3A_116 = tpu.vector_load %arg4[%swap3A_115] {strides = array<i32>} : memref<4096xf32, #tpu.memory_space<vmem>>, vector<16xf32>,
      tpu.vector_store %arg4[%swap3A_115], %broadcast_in_dim3A_13 {strides = array<i32>} : memref<4096xf32, #tpu.memory_space<vmem>>, vector<16xf32>,
      %swap3A_117 = arith.constant 832 : index
      %swap3A_118 = tpu.vector_load %arg4[%swap3A_117] {strides = array<i32>} : memref<4096xf32, #tpu.memory_space<vmem>>, vector<16xf32>,
      tpu.vector_store %arg4[%swap3A_117], %broadcast_in_dim3A_13 {strides = array<i32>} : memref<4096xf32, #tpu.memory_space<vmem>>, vector<16xf32>,
      %swap3A_119 = arith.constant 848 : index
      %swap3A_120 = tpu.vector_load %arg4[%swap3A_119] {strides = array<i32>} : memref<4096xf32, #tpu.memory_space<vmem>>, vector<16xf32>,
      tpu.vector_store %arg4[%swap3A_119], %broadcast_in_dim3A_13 {strides = array<i32>} : memref<4096xf32, #tpu.memory_space<vmem>>, vector<16xf32>,
      %swap3A_121 = arith.constant 864 : index
      %swap3A_122 = tpu.vector_load %arg4[%swap3A_121] {strides = array<i32>} : memref<4096xf32, #tpu.memory_space<vmem>>, vector<16xf32>,
      tpu.vector_store %arg4[%swap3A_121], %broadcast_in_dim3A_13 {strides = array<i32>} : memref<4096xf32, #tpu.memory_space<vmem>>, vector<16xf32>,
      %swap3A_123 = arith.constant 880 : index
      %swap3A_124 = tpu.vector_load %arg4[%swap3A_123] {strides = array<i32>} : memref<4096xf32, #tpu.memory_space<vmem>>, vector<16xf32>,
      tpu.vector_store %arg4[%swap3A_123], %broadcast_in_dim3A_13 {strides = array<i32>} : memref<4096xf32, #tpu.memory_space<vmem>>, vector<16xf32>,
      %swap3A_125 = arith.constant 896 : index
      %swap3A_126 = tpu.vector_load %arg4[%swap3A_125] {strides = array<i32>} : memref<4096xf32, #tpu.memory_space<vmem>>, vector<16xf32>,
      tpu.vector_store %arg4[%swap3A_125], %broadcast_in_dim3A_13 {strides = array<i32>} : memref<4096xf32, #tpu.memory_space<vmem>>, vector<16xf32>,
      %swap3A_127 = arith.constant 912 : index
      %swap3A_128 = tpu.vector_load %arg4[%swap3A_127] {strides = array<i32>} : memref<4096xf32, #tpu.memory_space<vmem>>, vector<16xf32>,
      tpu.vector_store %arg4[%swap3A_127], %broadcast_in_dim3A_13 {strides = array<i32>} : memref<4096xf32, #tpu.memory_space<vmem>>, vector<16xf32>,
      %swap3A_129 = arith.constant 928 : index
      %swap3A_130 = tpu.vector_load %arg4[%swap3A_129] {strides = array<i32>} : memref<4096xf32, #tpu.memory_space<vmem>>, vector<16xf32>,
      tpu.vector_store %arg4[%swap3A_129], %broadcast_in_dim3A_13 {strides = array<i32>} : memref<4096xf32, #tpu.memory_space<vmem>>, vector<16xf32>,
      %swap3A_131 = arith.constant 944 : index
      %swap3A_132 = tpu.vector_load %arg4[%swap3A_131] {strides = array<i32>} : memref<4096xf32, #tpu.memory_space<vmem>>, vector<16xf32>,
      tpu.vector_store %arg4[%swap3A_131], %broadcast_in_dim3A_13 {strides = array<i32>} : memref<4096xf32, #tpu.memory_space<vmem>>, vector<16xf32>,
      %swap3A_133 = arith.constant 960 : index
      %swap3A_134 = tpu.vector_load %arg4[%swap3A_133] {strides = array<i32>} : memref<4096xf32, #tpu.memory_space<vmem>>, vector<16xf32>,
      tpu.vector_store %arg4[%swap3A_133], %broadcast_in_dim3A_13 {strides = array<i32>} : memref<4096xf32, #tpu.memory_space<vmem>>, vector<16xf32>,
      %swap3A_135 = arith.constant 976 : index
      %swap3A_136 = tpu.vector_load %arg4[%swap3A_135] {strides = array<i32>} : memref<4096xf32, #tpu.memory_space<vmem>>, vector<16xf32>,
      tpu.vector_store %arg4[%swap3A_135], %broadcast_in_dim3A_13 {strides = array<i32>} : memref<4096xf32, #tpu.memory_space<vmem>>, vector<16xf32>,
      %swap3A_137 = arith.constant 992 : index
      %swap3A_138 = tpu.vector_load %arg4[%swap3A_137] {strides = array<i32>} : memref<4096xf32, #tpu.memory_space<vmem>>, vector<16xf32>,
      tpu.vector_store %arg4[%swap3A_137], %broadcast_in_dim3A_13 {strides = array<i32>} : memref<4096xf32, #tpu.memory_space<vmem>>, vector<16xf32>,
      %swap3A_139 = arith.constant 1008 : index
      %swap3A_140 = tpu.vector_load %arg4[%swap3A_139] {strides = array<i32>} : memref<4096xf32, #tpu.memory_space<vmem>>, vector<16xf32>,
      tpu.vector_store %arg4[%swap3A_139], %broadcast_in_dim3A_13 {strides = array<i32>} : memref<4096xf32, #tpu.memory_space<vmem>>, vector<16xf32>,
      %swap3A_141 = arith.constant 1024 : index
      %swap3A_142 = tpu.vector_load %arg4[%swap3A_141] {strides = array<i32>} : memref<4096xf32, #tpu.memory_space<vmem>>, vector<16xf32>,
      tpu.vector_store %arg4[%swap3A_141], %broadcast_in_dim3A_13 {strides = array<i32>} : memref<4096xf32, #tpu.memory_space<vmem>>, vector<16xf32>,
      %swap3A_143 = arith.constant 1040 : index
      %swap3A_144 = tpu.vector_load %arg4[%swap3A_143] {strides = array<i32>} : memref<4096xf32, #tpu.memory_space<vmem>>, vector<16xf32>,
      tpu.vector_store %arg4[%swap3A_143], %broadcast_in_dim3A_13 {strides = array<i32>} : memref<4096xf32, #tpu.memory_space<vmem>>, vector<16xf32>,
      %swap3A_145 = arith.constant 1056 : index
      %swap3A_146 = tpu.vector_load %arg4[%swap3A_145] {strides = array<i32>} : memref<4096xf32, #tpu.memory_space<vmem>>, vector<16xf32>,
      tpu.vector_store %arg4[%swap3A_145], %broadcast_in_dim3A_13 {strides = array<i32>} : memref<4096xf32, #tpu.memory_space<vmem>>, vector<16xf32>,
      %swap3A_147 = arith.constant 1072 : index
      %swap3A_148 = tpu.vector_load %arg4[%swap3A_147] {strides = array<i32>} : memref<4096xf32, #tpu.memory_space<vmem>>, vector<16xf32>,
      tpu.vector_store %arg4[%swap3A_147], %broadcast_in_dim3A_13 {strides = array<i32>} : memref<4096xf32, #tpu.memory_space<vmem>>, vector<16xf32>,
      %swap3A_149 = arith.constant 1088 : index
      %swap3A_150 = tpu.vector_load %arg4[%swap3A_149] {strides = array<i32>} : memref<4096xf32, #tpu.memory_space<vmem>>, vector<16xf32>,
      tpu.vector_store %arg4[%swap3A_149], %broadcast_in_dim3A_13 {strides = array<i32>} : memref<4096xf32, #tpu.memory_space<vmem>>, vector<16xf32>,
      %swap3A_151 = arith.constant 1104 : index
      %swap3A_152 = tpu.vector_load %arg4[%swap3A_151] {strides = array<i32>} : memref<4096xf32, #tpu.memory_space<vmem>>, vector<16xf32>,
      tpu.vector_store %arg4[%swap3A_151], %broadcast_in_dim3A_13 {strides = array<i32>} : memref<4096xf32, #tpu.memory_space<vmem>>, vector<16xf32>,
      %swap3A_153 = arith.constant 1120 : index
      %swap3A_154 = tpu.vector_load %arg4[%swap3A_153] {strides = array<i32>} : memref<4096xf32, #tpu.memory_space<vmem>>, vector<16xf32>,
      tpu.vector_store %arg4[%swap3A_153], %broadcast_in_dim3A_13 {strides = array<i32>} : memref<4096xf32, #tpu.memory_space<vmem>>, vector<16xf32>,
      %swap3A_155 = arith.constant 1136 : index
      %swap3A_156 = tpu.vector_load %arg4[%swap3A_155] {strides = array<i32>} : memref<4096xf32, #tpu.memory_space<vmem>>, vector<16xf32>,
      tpu.vector_store %arg4[%swap3A_155], %broadcast_in_dim3A_13 {strides = array<i32>} : memref<4096xf32, #tpu.memory_space<vmem>>, vector<16xf32>,
      %swap3A_157 = arith.constant 1152 : index
      %swap3A_158 = tpu.vector_load %arg4[%swap3A_157] {strides = array<i32>} : memref<4096xf32, #tpu.memory_space<vmem>>, vector<16xf32>,
      tpu.vector_store %arg4[%swap3A_157], %broadcast_in_dim3A_13 {strides = array<i32>} : memref<4096xf32, #tpu.memory_space<vmem>>, vector<16xf32>,
      %swap3A_159 = arith.constant 1168 : index
      %swap3A_160 = tpu.vector_load %arg4[%swap3A_159] {strides = array<i32>} : memref<4096xf32, #tpu.memory_space<vmem>>, vector<16xf32>,
      tpu.vector_store %arg4[%swap3A_159], %broadcast_in_dim3A_13 {strides = array<i32>} : memref<4096xf32, #tpu.memory_space<vmem>>, vector<16xf32>,
      %swap3A_161 = arith.constant 1184 : index
      %swap3A_162 = tpu.vector_load %arg4[%swap3A_161] {strides = array<i32>} : memref<4096xf32, #tpu.memory_space<vmem>>, vector<16xf32>,
      tpu.vector_store %arg4[%swap3A_161], %broadcast_in_dim3A_13 {strides = array<i32>} : memref<4096xf32, #tpu.memory_space<vmem>>, vector<16xf32>,
      %swap3A_163 = arith.constant 1200 : index
      %swap3A_164 = tpu.vector_load %arg4[%swap3A_163] {strides = array<i32>} : memref<4096xf32, #tpu.memory_space<vmem>>, vector<16xf32>,
      tpu.vector_store %arg4[%swap3A_163], %broadcast_in_dim3A_13 {strides = array<i32>} : memref<4096xf32, #tpu.memory_space<vmem>>, vector<16xf32>,
      %swap3A_165 = arith.constant 1216 : index
      %swap3A_166 = tpu.vector_load %arg4[%swap3A_165] {strides = array<i32>} : memref<4096xf32, #tpu.memory_space<vmem>>, vector<16xf32>,
      tpu.vector_store %arg4[%swap3A_165], %broadcast_in_dim3A_13 {strides = array<i32>} : memref<4096xf32, #tpu.memory_space<vmem>>, vector<16xf32>,
      %swap3A_167 = arith.constant 1232 : index
      %swap3A_168 = tpu.vector_load %arg4[%swap3A_167] {strides = array<i32>} : memref<4096xf32, #tpu.memory_space<vmem>>, vector<16xf32>,
      tpu.vector_store %arg4[%swap3A_167], %broadcast_in_dim3A_13 {strides = array<i32>} : memref<4096xf32, #tpu.memory_space<vmem>>, vector<16xf32>,
      %swap3A_169 = arith.constant 1248 : index
      %swap3A_170 = tpu.vector_load %arg4[%swap3A_169] {strides = array<i32>} : memref<4096xf32, #tpu.memory_space<vmem>>, vector<16xf32>,
      tpu.vector_store %arg4[%swap3A_169], %broadcast_in_dim3A_13 {strides = array<i32>} : memref<4096xf32, #tpu.memory_space<vmem>>, vector<16xf32>,
      %swap3A_171 = arith.constant 1264 : index
      %swap3A_172 = tpu.vector_load %arg4[%swap3A_171] {strides = array<i32>} : memref<4096xf32, #tpu.memory_space<vmem>>, vector<16xf32>,
      tpu.vector_store %arg4[%swap3A_171], %broadcast_in_dim3A_13 {strides = array<i32>} : memref<4096xf32, #tpu.memory_space<vmem>>, vector<16xf32>,
      %swap3A_173 = arith.constant 1280 : index
      %swap3A_174 = tpu.vector_load %arg4[%swap3A_173] {strides = array<i32>} : memref<4096xf32, #tpu.memory_space<vmem>>, vector<16xf32>,
      tpu.vector_store %arg4[%swap3A_173], %broadcast_in_dim3A_13 {strides = array<i32>} : memref<4096xf32, #tpu.memory_space<vmem>>, vector<16xf32>,
      %swap3A_175 = arith.constant 1296 : index
      %swap3A_176 = tpu.vector_load %arg4[%swap3A_175] {strides = array<i32>} : memref<4096xf32, #tpu.memory_space<vmem>>, vector<16xf32>,
      tpu.vector_store %arg4[%swap3A_175], %broadcast_in_dim3A_13 {strides = array<i32>} : memref<4096xf32, #tpu.memory_space<vmem>>, vector<16xf32>,
      %swap3A_177 = arith.constant 1312 : index
      %swap3A_178 = tpu.vector_load %arg4[%swap3A_177] {strides = array<i32>} : memref<4096xf32, #tpu.memory_space<vmem>>, vector<16xf32>,
      tpu.vector_store %arg4[%swap3A_177], %broadcast_in_dim3A_13 {strides = array<i32>} : memref<4096xf32, #tpu.memory_space<vmem>>, vector<16xf32>,
      %swap3A_179 = arith.constant 1328 : index
      %swap3A_180 = tpu.vector_load %arg4[%swap3A_179] {strides = array<i32>} : memref<4096xf32, #tpu.memory_space<vmem>>, vector<16xf32>,
      tpu.vector_store %arg4[%swap3A_179], %broadcast_in_dim3A_13 {strides = array<i32>} : memref<4096xf32, #tpu.memory_space<vmem>>, vector<16xf32>,
      %swap3A_181 = arith.constant 1344 : index
      %swap3A_182 = tpu.vector_load %arg4[%swap3A_181] {strides = array<i32>} : memref<4096xf32, #tpu.memory_space<vmem>>, vector<16xf32>,
      tpu.vector_store %arg4[%swap3A_181], %broadcast_in_dim3A_13 {strides = array<i32>} : memref<4096xf32, #tpu.memory_space<vmem>>, vector<16xf32>,
      %swap3A_183 = arith.constant 1360 : index
      %swap3A_184 = tpu.vector_load %arg4[%swap3A_183] {strides = array<i32>} : memref<4096xf32, #tpu.memory_space<vmem>>, vector<16xf32>,
      tpu.vector_store %arg4[%swap3A_183], %broadcast_in_dim3A_13 {strides = array<i32>} : memref<4096xf32, #tpu.memory_space<vmem>>, vector<16xf32>,
      %swap3A_185 = arith.constant 1376 : index
      %swap3A_186 = tpu.vector_load %arg4[%swap3A_185] {strides = array<i32>} : memref<4096xf32, #tpu.memory_space<vmem>>, vector<16xf32>,
      tpu.vector_store %arg4[%swap3A_185], %broadcast_in_dim3A_13 {strides = array<i32>} : memref<4096xf32, #tpu.memory_space<vmem>>, vector<16xf32>,
      %swap3A_187 = arith.constant 1392 : index
      %swap3A_188 = tpu.vector_load %arg4[%swap3A_187] {strides = array<i32>} : memref<4096xf32, #tpu.memory_space<vmem>>, vector<16xf32>,
      tpu.vector_store %arg4[%swap3A_187], %broadcast_in_dim3A_13 {strides = array<i32>} : memref<4096xf32, #tpu.memory_space<vmem>>, vector<16xf32>,
      %swap3A_189 = arith.constant 1408 : index
      %swap3A_190 = tpu.vector_load %arg4[%swap3A_189] {strides = array<i32>} : memref<4096xf32, #tpu.memory_space<vmem>>, vector<16xf32>,
      tpu.vector_store %arg4[%swap3A_189], %broadcast_in_dim3A_13 {strides = array<i32>} : memref<4096xf32, #tpu.memory_space<vmem>>, vector<16xf32>,
      %swap3A_191 = arith.constant 1424 : index
      %swap3A_192 = tpu.vector_load %arg4[%swap3A_191] {strides = array<i32>} : memref<4096xf32, #tpu.memory_space<vmem>>, vector<16xf32>,
      tpu.vector_store %arg4[%swap3A_191], %broadcast_in_dim3A_13 {strides = array<i32>} : memref<4096xf32, #tpu.memory_space<vmem>>, vector<16xf32>,
      %swap3A_193 = arith.constant 1440 : index
      %swap3A_194 = tpu.vector_load %arg4[%swap3A_193] {strides = array<i32>} : memref<4096xf32, #tpu.memory_space<vmem>>, vector<16xf32>,
      tpu.vector_store %arg4[%swap3A_193], %broadcast_in_dim3A_13 {strides = array<i32>} : memref<4096xf32, #tpu.memory_space<vmem>>, vector<16xf32>,
      %swap3A_195 = arith.constant 1456 : index
      %swap3A_196 = tpu.vector_load %arg4[%swap3A_195] {strides = array<i32>} : memref<4096xf32, #tpu.memory_space<vmem>>, vector<16xf32>,
      tpu.vector_store %arg4[%swap3A_195], %broadcast_in_dim3A_13 {strides = array<i32>} : memref<4096xf32, #tpu.memory_space<vmem>>, vector<16xf32>,
      %swap3A_197 = arith.constant 1472 : index
      %swap3A_198 = tpu.vector_load %arg4[%swap3A_197] {strides = array<i32>} : memref<4096xf32, #tpu.memory_space<vmem>>, vector<16xf32>,
      tpu.vector_store %arg4[%swap3A_197], %broadcast_in_dim3A_13 {strides = array<i32>} : memref<4096xf32, #tpu.memory_space<vmem>>, vector<16xf32>,
      %swap3A_199 = arith.constant 1488 : index
      %swap3A_200 = tpu.vector_load %arg4[%swap3A_199] {strides = array<i32>} : memref<4096xf32, #tpu.memory_space<vmem>>, vector<16xf32>,
      tpu.vector_store %arg4[%swap3A_199], %broadcast_in_dim3A_13 {strides = array<i32>} : memref<4096xf32, #tpu.memory_space<vmem>>, vector<16xf32>,
      %swap3A_201 = arith.constant 1504 : index
      %swap3A_202 = tpu.vector_load %arg4[%swap3A_201] {strides = array<i32>} : memref<4096xf32, #tpu.memory_space<vmem>>, vector<16xf32>,
      tpu.vector_store %arg4[%swap3A_201], %broadcast_in_dim3A_13 {strides = array<i32>} : memref<4096xf32, #tpu.memory_space<vmem>>, vector<16xf32>,
      %swap3A_203 = arith.constant 1520 : index
      %swap3A_204 = tpu.vector_load %arg4[%swap3A_203] {strides = array<i32>} : memref<4096xf32, #tpu.memory_space<vmem>>, vector<16xf32>,
      tpu.vector_store %arg4[%swap3A_203], %broadcast_in_dim3A_13 {strides = array<i32>} : memref<4096xf32, #tpu.memory_space<vmem>>, vector<16xf32>,
      %swap3A_205 = arith.constant 1536 : index
      %swap3A_206 = tpu.vector_load %arg4[%swap3A_205] {strides = array<i32>} : memref<4096xf32, #tpu.memory_space<vmem>>, vector<16xf32>,
      tpu.vector_store %arg4[%swap3A_205], %broadcast_in_dim3A_13 {strides = array<i32>} : memref<4096xf32, #tpu.memory_space<vmem>>, vector<16xf32>,
      %swap3A_207 = arith.constant 1552 : index
      %swap3A_208 = tpu.vector_load %arg4[%swap3A_207] {strides = array<i32>} : memref<4096xf32, #tpu.memory_space<vmem>>, vector<16xf32>,
      tpu.vector_store %arg4[%swap3A_207], %broadcast_in_dim3A_13 {strides = array<i32>} : memref<4096xf32, #tpu.memory_space<vmem>>, vector<16xf32>,
      %swap3A_209 = arith.constant 1568 : index
      %swap3A_210 = tpu.vector_load %arg4[%swap3A_209] {strides = array<i32>} : memref<4096xf32, #tpu.memory_space<vmem>>, vector<16xf32>,
      tpu.vector_store %arg4[%swap3A_209], %broadcast_in_dim3A_13 {strides = array<i32>} : memref<4096xf32, #tpu.memory_space<vmem>>, vector<16xf32>,
      %swap3A_211 = arith.constant 1584 : index
      %swap3A_212 = tpu.vector_load %arg4[%swap3A_211] {strides = array<i32>} : memref<4096xf32, #tpu.memory_space<vmem>>, vector<16xf32>,
      tpu.vector_store %arg4[%swap3A_211], %broadcast_in_dim3A_13 {strides = array<i32>} : memref<4096xf32, #tpu.memory_space<vmem>>, vector<16xf32>,
      %swap3A_213 = arith.constant 1600 : index
      %swap3A_214 = tpu.vector_load %arg4[%swap3A_213] {strides = array<i32>} : memref<4096xf32, #tpu.memory_space<vmem>>, vector<16xf32>,
      tpu.vector_store %arg4[%swap3A_213], %broadcast_in_dim3A_13 {strides = array<i32>} : memref<4096xf32, #tpu.memory_space<vmem>>, vector<16xf32>,
      %swap3A_215 = arith.constant 1616 : index
      %swap3A_216 = tpu.vector_load %arg4[%swap3A_215] {strides = array<i32>} : memref<4096xf32, #tpu.memory_space<vmem>>, vector<16xf32>,
      tpu.vector_store %arg4[%swap3A_215], %broadcast_in_dim3A_13 {strides = array<i32>} : memref<4096xf32, #tpu.memory_space<vmem>>, vector<16xf32>,
      %swap3A_217 = arith.constant 1632 : index
      %swap3A_218 = tpu.vector_load %arg4[%swap3A_217] {strides = array<i32>} : memref<4096xf32, #tpu.memory_space<vmem>>, vector<16xf32>,
      tpu.vector_store %arg4[%swap3A_217], %broadcast_in_dim3A_13 {strides = array<i32>} : memref<4096xf32, #tpu.memory_space<vmem>>, vector<16xf32>,
      %swap3A_219 = arith.constant 1648 : index
      %swap3A_220 = tpu.vector_load %arg4[%swap3A_219] {strides = array<i32>} : memref<4096xf32, #tpu.memory_space<vmem>>, vector<16xf32>,
      tpu.vector_store %arg4[%swap3A_219], %broadcast_in_dim3A_13 {strides = array<i32>} : memref<4096xf32, #tpu.memory_space<vmem>>, vector<16xf32>,
      %swap3A_221 = arith.constant 1664 : index
      %swap3A_222 = tpu.vector_load %arg4[%swap3A_221] {strides = array<i32>} : memref<4096xf32, #tpu.memory_space<vmem>>, vector<16xf32>,
      tpu.vector_store %arg4[%swap3A_221], %broadcast_in_dim3A_13 {strides = array<i32>} : memref<4096xf32, #tpu.memory_space<vmem>>, vector<16xf32>,
      %swap3A_223 = arith.constant 1680 : index
      %swap3A_224 = tpu.vector_load %arg4[%swap3A_223] {strides = array<i32>} : memref<4096xf32, #tpu.memory_space<vmem>>, vector<16xf32>,
      tpu.vector_store %arg4[%swap3A_223], %broadcast_in_dim3A_13 {strides = array<i32>} : memref<4096xf32, #tpu.memory_space<vmem>>, vector<16xf32>,
      %swap3A_225 = arith.constant 1696 : index
      %swap3A_226 = tpu.vector_load %arg4[%swap3A_225] {strides = array<i32>} : memref<4096xf32, #tpu.memory_space<vmem>>, vector<16xf32>,
      tpu.vector_store %arg4[%swap3A_225], %broadcast_in_dim3A_13 {strides = array<i32>} : memref<4096xf32, #tpu.memory_space<vmem>>, vector<16xf32>,
      %swap3A_227 = arith.constant 1712 : index
      %swap3A_228 = tpu.vector_load %arg4[%swap3A_227] {strides = array<i32>} : memref<4096xf32, #tpu.memory_space<vmem>>, vector<16xf32>,
      tpu.vector_store %arg4[%swap3A_227], %broadcast_in_dim3A_13 {strides = array<i32>} : memref<4096xf32, #tpu.memory_space<vmem>>, vector<16xf32>,
      %swap3A_229 = arith.constant 1728 : index
      %swap3A_230 = tpu.vector_load %arg4[%swap3A_229] {strides = array<i32>} : memref<4096xf32, #tpu.memory_space<vmem>>, vector<16xf32>,
      tpu.vector_store %arg4[%swap3A_229], %broadcast_in_dim3A_13 {strides = array<i32>} : memref<4096xf32, #tpu.memory_space<vmem>>, vector<16xf32>,
      %swap3A_231 = arith.constant 1744 : index
      %swap3A_232 = tpu.vector_load %arg4[%swap3A_231] {strides = array<i32>} : memref<4096xf32, #tpu.memory_space<vmem>>, vector<16xf32>,
      tpu.vector_store %arg4[%swap3A_231], %broadcast_in_dim3A_13 {strides = array<i32>} : memref<4096xf32, #tpu.memory_space<vmem>>, vector<16xf32>,
      %swap3A_233 = arith.constant 1760 : index
      %swap3A_234 = tpu.vector_load %arg4[%swap3A_233] {strides = array<i32>} : memref<4096xf32, #tpu.memory_space<vmem>>, vector<16xf32>,
      tpu.vector_store %arg4[%swap3A_233], %broadcast_in_dim3A_13 {strides = array<i32>} : memref<4096xf32, #tpu.memory_space<vmem>>, vector<16xf32>,
      %swap3A_235 = arith.constant 1776 : index
      %swap3A_236 = tpu.vector_load %arg4[%swap3A_235] {strides = array<i32>} : memref<4096xf32, #tpu.memory_space<vmem>>, vector<16xf32>,
      tpu.vector_store %arg4[%swap3A_235], %broadcast_in_dim3A_13 {strides = array<i32>} : memref<4096xf32, #tpu.memory_space<vmem>>, vector<16xf32>,
      %swap3A_237 = arith.constant 1792 : index
      %swap3A_238 = tpu.vector_load %arg4[%swap3A_237] {strides = array<i32>} : memref<4096xf32, #tpu.memory_space<vmem>>, vector<16xf32>,
      tpu.vector_store %arg4[%swap3A_237], %broadcast_in_dim3A_13 {strides = array<i32>} : memref<4096xf32, #tpu.memory_space<vmem>>, vector<16xf32>,
      %swap3A_239 = arith.constant 1808 : index
      %swap3A_240 = tpu.vector_load %arg4[%swap3A_239] {strides = array<i32>} : memref<4096xf32, #tpu.memory_space<vmem>>, vector<16xf32>,
      tpu.vector_store %arg4[%swap3A_239], %broadcast_in_dim3A_13 {strides = array<i32>} : memref<4096xf32, #tpu.memory_space<vmem>>, vector<16xf32>,
      %swap3A_241 = arith.constant 1824 : index
      %swap3A_242 = tpu.vector_load %arg4[%swap3A_241] {strides = array<i32>} : memref<4096xf32, #tpu.memory_space<vmem>>, vector<16xf32>,
      tpu.vector_store %arg4[%swap3A_241], %broadcast_in_dim3A_13 {strides = array<i32>} : memref<4096xf32, #tpu.memory_space<vmem>>, vector<16xf32>,
      %swap3A_243 = arith.constant 1840 : index
      %swap3A_244 = tpu.vector_load %arg4[%swap3A_243] {strides = array<i32>} : memref<4096xf32, #tpu.memory_space<vmem>>, vector<16xf32>,
      tpu.vector_store %arg4[%swap3A_243], %broadcast_in_dim3A_13 {strides = array<i32>} : memref<4096xf32, #tpu.memory_space<vmem>>, vector<16xf32>,
      %swap3A_245 = arith.constant 1856 : index
      %swap3A_246 = tpu.vector_load %arg4[%swap3A_245] {strides = array<i32>} : memref<4096xf32, #tpu.memory_space<vmem>>, vector<16xf32>,
      tpu.vector_store %arg4[%swap3A_245], %broadcast_in_dim3A_13 {strides = array<i32>} : memref<4096xf32, #tpu.memory_space<vmem>>, vector<16xf32>,
      %swap3A_247 = arith.constant 1872 : index
      %swap3A_248 = tpu.vector_load %arg4[%swap3A_247] {strides = array<i32>} : memref<4096xf32, #tpu.memory_space<vmem>>, vector<16xf32>,
      tpu.vector_store %arg4[%swap3A_247], %broadcast_in_dim3A_13 {strides = array<i32>} : memref<4096xf32, #tpu.memory_space<vmem>>, vector<16xf32>,
      %swap3A_249 = arith.constant 1888 : index
      %swap3A_250 = tpu.vector_load %arg4[%swap3A_249] {strides = array<i32>} : memref<4096xf32, #tpu.memory_space<vmem>>, vector<16xf32>,
      tpu.vector_store %arg4[%swap3A_249], %broadcast_in_dim3A_13 {strides = array<i32>} : memref<4096xf32, #tpu.memory_space<vmem>>, vector<16xf32>,
      %swap3A_251 = arith.constant 1904 : index
      %swap3A_252 = tpu.vector_load %arg4[%swap3A_251] {strides = array<i32>} : memref<4096xf32, #tpu.memory_space<vmem>>, vector<16xf32>,
      tpu.vector_store %arg4[%swap3A_251], %broadcast_in_dim3A_13 {strides = array<i32>} : memref<4096xf32, #tpu.memory_space<vmem>>, vector<16xf32>,
      %swap3A_253 = arith.constant 1920 : index
      %swap3A_254 = tpu.vector_load %arg4[%swap3A_253] {strides = array<i32>} : memref<4096xf32, #tpu.memory_space<vmem>>, vector<16xf32>,
      tpu.vector_store %arg4[%swap3A_253], %broadcast_in_dim3A_13 {strides = array<i32>} : memref<4096xf32, #tpu.memory_space<vmem>>, vector<16xf32>,
      %swap3A_255 = arith.constant 1936 : index
      %swap3A_256 = tpu.vector_load %arg4[%swap3A_255] {strides = array<i32>} : memref<4096xf32, #tpu.memory_space<vmem>>, vector<16xf32>,
      tpu.vector_store %arg4[%swap3A_255], %broadcast_in_dim3A_13 {strides = array<i32>} : memref<4096xf32, #tpu.memory_space<vmem>>, vector<16xf32>,
      %swap3A_257 = arith.constant 1952 : index
      %swap3A_258 = tpu.vector_load %arg4[%swap3A_257] {strides = array<i32>} : memref<4096xf32, #tpu.memory_space<vmem>>, vector<16xf32>,
      tpu.vector_store %arg4[%swap3A_257], %broadcast_in_dim3A_13 {strides = array<i32>} : memref<4096xf32, #tpu.memory_space<vmem>>, vector<16xf32>,
      %swap3A_259 = arith.constant 1968 : index
      %swap3A_260 = tpu.vector_load %arg4[%swap3A_259] {strides = array<i32>} : memref<4096xf32, #tpu.memory_space<vmem>>, vector<16xf32>,
      tpu.vector_store %arg4[%swap3A_259], %broadcast_in_dim3A_13 {strides = array<i32>} : memref<4096xf32, #tpu.memory_space<vmem>>, vector<16xf32>,
      %swap3A_261 = arith.constant 1984 : index
      %swap3A_262 = tpu.vector_load %arg4[%swap3A_261] {strides = array<i32>} : memref<4096xf32, #tpu.memory_space<vmem>>, vector<16xf32>,
      tpu.vector_store %arg4[%swap3A_261], %broadcast_in_dim3A_13 {strides = array<i32>} : memref<4096xf32, #tpu.memory_space<vmem>>, vector<16xf32>,
      %swap3A_263 = arith.constant 2000 : index
      %swap3A_264 = tpu.vector_load %arg4[%swap3A_263] {strides = array<i32>} : memref<4096xf32, #tpu.memory_space<vmem>>, vector<16xf32>,
      tpu.vector_store %arg4[%swap3A_263], %broadcast_in_dim3A_13 {strides = array<i32>} : memref<4096xf32, #tpu.memory_space<vmem>>, vector<16xf32>,
      %swap3A_265 = arith.constant 2016 : index
      %swap3A_266 = tpu.vector_load %arg4[%swap3A_265] {strides = array<i32>} : memref<4096xf32, #tpu.memory_space<vmem>>, vector<16xf32>,
      tpu.vector_store %arg4[%swap3A_265], %broadcast_in_dim3A_13 {strides = array<i32>} : memref<4096xf32, #tpu.memory_space<vmem>>, vector<16xf32>,
      %swap3A_267 = arith.constant 2032 : index
      %swap3A_268 = tpu.vector_load %arg4[%swap3A_267] {strides = array<i32>} : memref<4096xf32, #tpu.memory_space<vmem>>, vector<16xf32>,
      tpu.vector_store %arg4[%swap3A_267], %broadcast_in_dim3A_13 {strides = array<i32>} : memref<4096xf32, #tpu.memory_space<vmem>>, vector<16xf32>,
      %swap3A_269 = arith.constant 2048 : index
      %swap3A_270 = tpu.vector_load %arg4[%swap3A_269] {strides = array<i32>} : memref<4096xf32, #tpu.memory_space<vmem>>, vector<16xf32>,
      tpu.vector_store %arg4[%swap3A_269], %broadcast_in_dim3A_13 {strides = array<i32>} : memref<4096xf32, #tpu.memory_space<vmem>>, vector<16xf32>,
      %swap3A_271 = arith.constant 2064 : index
      %swap3A_272 = tpu.vector_load %arg4[%swap3A_271] {strides = array<i32>} : memref<4096xf32, #tpu.memory_space<vmem>>, vector<16xf32>,
      tpu.vector_store %arg4[%swap3A_271], %broadcast_in_dim3A_13 {strides = array<i32>} : memref<4096xf32, #tpu.memory_space<vmem>>, vector<16xf32>,
      %swap3A_273 = arith.constant 2080 : index
      %swap3A_274 = tpu.vector_load %arg4[%swap3A_273] {strides = array<i32>} : memref<4096xf32, #tpu.memory_space<vmem>>, vector<16xf32>,
      tpu.vector_store %arg4[%swap3A_273], %broadcast_in_dim3A_13 {strides = array<i32>} : memref<4096xf32, #tpu.memory_space<vmem>>, vector<16xf32>,
      %swap3A_275 = arith.constant 2096 : index
      %swap3A_276 = tpu.vector_load %arg4[%swap3A_275] {strides = array<i32>} : memref<4096xf32, #tpu.memory_space<vmem>>, vector<16xf32>,
      tpu.vector_store %arg4[%swap3A_275], %broadcast_in_dim3A_13 {strides = array<i32>} : memref<4096xf32, #tpu.memory_space<vmem>>, vector<16xf32>,
      %swap3A_277 = arith.constant 2112 : index
      %swap3A_278 = tpu.vector_load %arg4[%swap3A_277] {strides = array<i32>} : memref<4096xf32, #tpu.memory_space<vmem>>, vector<16xf32>,
      tpu.vector_store %arg4[%swap3A_277], %broadcast_in_dim3A_13 {strides = array<i32>} : memref<4096xf32, #tpu.memory_space<vmem>>, vector<16xf32>,
      %swap3A_279 = arith.constant 2128 : index
      %swap3A_280 = tpu.vector_load %arg4[%swap3A_279] {strides = array<i32>} : memref<4096xf32, #tpu.memory_space<vmem>>, vector<16xf32>,
      tpu.vector_store %arg4[%swap3A_279], %broadcast_in_dim3A_13 {strides = array<i32>} : memref<4096xf32, #tpu.memory_space<vmem>>, vector<16xf32>,
      %swap3A_281 = arith.constant 2144 : index
      %swap3A_282 = tpu.vector_load %arg4[%swap3A_281] {strides = array<i32>} : memref<4096xf32, #tpu.memory_space<vmem>>, vector<16xf32>,
      tpu.vector_store %arg4[%swap3A_281], %broadcast_in_dim3A_13 {strides = array<i32>} : memref<4096xf32, #tpu.memory_space<vmem>>, vector<16xf32>,
      %swap3A_283 = arith.constant 2160 : index
      %swap3A_284 = tpu.vector_load %arg4[%swap3A_283] {strides = array<i32>} : memref<4096xf32, #tpu.memory_space<vmem>>, vector<16xf32>,
      tpu.vector_store %arg4[%swap3A_283], %broadcast_in_dim3A_13 {strides = array<i32>} : memref<4096xf32, #tpu.memory_space<vmem>>, vector<16xf32>,
      %swap3A_285 = arith.constant 2176 : index
      %swap3A_286 = tpu.vector_load %arg4[%swap3A_285] {strides = array<i32>} : memref<4096xf32, #tpu.memory_space<vmem>>, vector<16xf32>,
      tpu.vector_store %arg4[%swap3A_285], %broadcast_in_dim3A_13 {strides = array<i32>} : memref<4096xf32, #tpu.memory_space<vmem>>, vector<16xf32>,
      %swap3A_287 = arith.constant 2192 : index
      %swap3A_288 = tpu.vector_load %arg4[%swap3A_287] {strides = array<i32>} : memref<4096xf32, #tpu.memory_space<vmem>>, vector<16xf32>,
      tpu.vector_store %arg4[%swap3A_287], %broadcast_in_dim3A_13 {strides = array<i32>} : memref<4096xf32, #tpu.memory_space<vmem>>, vector<16xf32>,
      %swap3A_289 = arith.constant 2208 : index
      %swap3A_290 = tpu.vector_load %arg4[%swap3A_289] {strides = array<i32>} : memref<4096xf32, #tpu.memory_space<vmem>>, vector<16xf32>,
      tpu.vector_store %arg4[%swap3A_289], %broadcast_in_dim3A_13 {strides = array<i32>} : memref<4096xf32, #tpu.memory_space<vmem>>, vector<16xf32>,
      %swap3A_291 = arith.constant 2224 : index
      %swap3A_292 = tpu.vector_load %arg4[%swap3A_291] {strides = array<i32>} : memref<4096xf32, #tpu.memory_space<vmem>>, vector<16xf32>,
      tpu.vector_store %arg4[%swap3A_291], %broadcast_in_dim3A_13 {strides = array<i32>} : memref<4096xf32, #tpu.memory_space<vmem>>, vector<16xf32>,
      %swap3A_293 = arith.constant 2240 : index
      %swap3A_294 = tpu.vector_load %arg4[%swap3A_293] {strides = array<i32>} : memref<4096xf32, #tpu.memory_space<vmem>>, vector<16xf32>,
      tpu.vector_store %arg4[%swap3A_293], %broadcast_in_dim3A_13 {strides = array<i32>} : memref<4096xf32, #tpu.memory_space<vmem>>, vector<16xf32>,
      %swap3A_295 = arith.constant 2256 : index
      %swap3A_296 = tpu.vector_load %arg4[%swap3A_295] {strides = array<i32>} : memref<4096xf32, #tpu.memory_space<vmem>>, vector<16xf32>,
      tpu.vector_store %arg4[%swap3A_295], %broadcast_in_dim3A_13 {strides = array<i32>} : memref<4096xf32, #tpu.memory_space<vmem>>, vector<16xf32>,
      %swap3A_297 = arith.constant 2272 : index
      %swap3A_298 = tpu.vector_load %arg4[%swap3A_297] {strides = array<i32>} : memref<4096xf32, #tpu.memory_space<vmem>>, vector<16xf32>,
      tpu.vector_store %arg4[%swap3A_297], %broadcast_in_dim3A_13 {strides = array<i32>} : memref<4096xf32, #tpu.memory_space<vmem>>, vector<16xf32>,
      %swap3A_299 = arith.constant 2288 : index
      %swap3A_300 = tpu.vector_load %arg4[%swap3A_299] {strides = array<i32>} : memref<4096xf32, #tpu.memory_space<vmem>>, vector<16xf32>,
      tpu.vector_store %arg4[%swap3A_299], %broadcast_in_dim3A_13 {strides = array<i32>} : memref<4096xf32, #tpu.memory_space<vmem>>, vector<16xf32>,
      %swap3A_301 = arith.constant 2304 : index
      %swap3A_302 = tpu.vector_load %arg4[%swap3A_301] {strides = array<i32>} : memref<4096xf32, #tpu.memory_space<vmem>>, vector<16xf32>,
      tpu.vector_store %arg4[%swap3A_301], %broadcast_in_dim3A_13 {strides = array<i32>} : memref<4096xf32, #tpu.memory_space<vmem>>, vector<16xf32>,
      %swap3A_303 = arith.constant 2320 : index
      %swap3A_304 = tpu.vector_load %arg4[%swap3A_303] {strides = array<i32>} : memref<4096xf32, #tpu.memory_space<vmem>>, vector<16xf32>,
      tpu.vector_store %arg4[%swap3A_303], %broadcast_in_dim3A_13 {strides = array<i32>} : memref<4096xf32, #tpu.memory_space<vmem>>, vector<16xf32>,
      %swap3A_305 = arith.constant 2336 : index
      %swap3A_306 = tpu.vector_load %arg4[%swap3A_305] {strides = array<i32>} : memref<4096xf32, #tpu.memory_space<vmem>>, vector<16xf32>,
      tpu.vector_store %arg4[%swap3A_305], %broadcast_in_dim3A_13 {strides = array<i32>} : memref<4096xf32, #tpu.memory_space<vmem>>, vector<16xf32>,
      %swap3A_307 = arith.constant 2352 : index
      %swap3A_308 = tpu.vector_load %arg4[%swap3A_307] {strides = array<i32>} : memref<4096xf32, #tpu.memory_space<vmem>>, vector<16xf32>,
      tpu.vector_store %arg4[%swap3A_307], %broadcast_in_dim3A_13 {strides = array<i32>} : memref<4096xf32, #tpu.memory_space<vmem>>, vector<16xf32>,
      %swap3A_309 = arith.constant 2368 : index
      %swap3A_310 = tpu.vector_load %arg4[%swap3A_309] {strides = array<i32>} : memref<4096xf32, #tpu.memory_space<vmem>>, vector<16xf32>,
      tpu.vector_store %arg4[%swap3A_309], %broadcast_in_dim3A_13 {strides = array<i32>} : memref<4096xf32, #tpu.memory_space<vmem>>, vector<16xf32>,
      %swap3A_311 = arith.constant 2384 : index
      %swap3A_312 = tpu.vector_load %arg4[%swap3A_311] {strides = array<i32>} : memref<4096xf32, #tpu.memory_space<vmem>>, vector<16xf32>,
      tpu.vector_store %arg4[%swap3A_311], %broadcast_in_dim3A_13 {strides = array<i32>} : memref<4096xf32, #tpu.memory_space<vmem>>, vector<16xf32>,
      %swap3A_313 = arith.constant 2400 : index
      %swap3A_314 = tpu.vector_load %arg4[%swap3A_313] {strides = array<i32>} : memref<4096xf32, #tpu.memory_space<vmem>>, vector<16xf32>,
      tpu.vector_store %arg4[%swap3A_313], %broadcast_in_dim3A_13 {strides = array<i32>} : memref<4096xf32, #tpu.memory_space<vmem>>, vector<16xf32>,
      %swap3A_315 = arith.constant 2416 : index
      %swap3A_316 = tpu.vector_load %arg4[%swap3A_315] {strides = array<i32>} : memref<4096xf32, #tpu.memory_space<vmem>>, vector<16xf32>,
      tpu.vector_store %arg4[%swap3A_315], %broadcast_in_dim3A_13 {strides = array<i32>} : memref<4096xf32, #tpu.memory_space<vmem>>, vector<16xf32>,
      %swap3A_317 = arith.constant 2432 : index
      %swap3A_318 = tpu.vector_load %arg4[%swap3A_317] {strides = array<i32>} : memref<4096xf32, #tpu.memory_space<vmem>>, vector<16xf32>,
      tpu.vector_store %arg4[%swap3A_317], %broadcast_in_dim3A_13 {strides = array<i32>} : memref<4096xf32, #tpu.memory_space<vmem>>, vector<16xf32>,
      %swap3A_319 = arith.constant 2448 : index
      %swap3A_320 = tpu.vector_load %arg4[%swap3A_319] {strides = array<i32>} : memref<4096xf32, #tpu.memory_space<vmem>>, vector<16xf32>,
      tpu.vector_store %arg4[%swap3A_319], %broadcast_in_dim3A_13 {strides = array<i32>} : memref<4096xf32, #tpu.memory_space<vmem>>, vector<16xf32>,
      %swap3A_321 = arith.constant 2464 : index
      %swap3A_322 = tpu.vector_load %arg4[%swap3A_321] {strides = array<i32>} : memref<4096xf32, #tpu.memory_space<vmem>>, vector<16xf32>,
      tpu.vector_store %arg4[%swap3A_321], %broadcast_in_dim3A_13 {strides = array<i32>} : memref<4096xf32, #tpu.memory_space<vmem>>, vector<16xf32>,
      %swap3A_323 = arith.constant 2480 : index
      %swap3A_324 = tpu.vector_load %arg4[%swap3A_323] {strides = array<i32>} : memref<4096xf32, #tpu.memory_space<vmem>>, vector<16xf32>,
      tpu.vector_store %arg4[%swap3A_323], %broadcast_in_dim3A_13 {strides = array<i32>} : memref<4096xf32, #tpu.memory_space<vmem>>, vector<16xf32>,
      %swap3A_325 = arith.constant 2496 : index
      %swap3A_326 = tpu.vector_load %arg4[%swap3A_325] {strides = array<i32>} : memref<4096xf32, #tpu.memory_space<vmem>>, vector<16xf32>,
      tpu.vector_store %arg4[%swap3A_325], %broadcast_in_dim3A_13 {strides = array<i32>} : memref<4096xf32, #tpu.memory_space<vmem>>, vector<16xf32>,
      %swap3A_327 = arith.constant 2512 : index
      %swap3A_328 = tpu.vector_load %arg4[%swap3A_327] {strides = array<i32>} : memref<4096xf32, #tpu.memory_space<vmem>>, vector<16xf32>,
      tpu.vector_store %arg4[%swap3A_327], %broadcast_in_dim3A_13 {strides = array<i32>} : memref<4096xf32, #tpu.memory_space<vmem>>, vector<16xf32>,
      %swap3A_329 = arith.constant 2528 : index
      %swap3A_330 = tpu.vector_load %arg4[%swap3A_329] {strides = array<i32>} : memref<4096xf32, #tpu.memory_space<vmem>>, vector<16xf32>,
      tpu.vector_store %arg4[%swap3A_329], %broadcast_in_dim3A_13 {strides = array<i32>} : memref<4096xf32, #tpu.memory_space<vmem>>, vector<16xf32>,
      %swap3A_331 = arith.constant 2544 : index
      %swap3A_332 = tpu.vector_load %arg4[%swap3A_331] {strides = array<i32>} : memref<4096xf32, #tpu.memory_space<vmem>>, vector<16xf32>,
      tpu.vector_store %arg4[%swap3A_331], %broadcast_in_dim3A_13 {strides = array<i32>} : memref<4096xf32, #tpu.memory_space<vmem>>, vector<16xf32>,
      %swap3A_333 = arith.constant 2560 : index
      %swap3A_334 = tpu.vector_load %arg4[%swap3A_333] {strides = array<i32>} : memref<4096xf32, #tpu.memory_space<vmem>>, vector<16xf32>,
      tpu.vector_store %arg4[%swap3A_333], %broadcast_in_dim3A_13 {strides = array<i32>} : memref<4096xf32, #tpu.memory_space<vmem>>, vector<16xf32>,
      %swap3A_335 = arith.constant 2576 : index
      %swap3A_336 = tpu.vector_load %arg4[%swap3A_335] {strides = array<i32>} : memref<4096xf32, #tpu.memory_space<vmem>>, vector<16xf32>,
      tpu.vector_store %arg4[%swap3A_335], %broadcast_in_dim3A_13 {strides = array<i32>} : memref<4096xf32, #tpu.memory_space<vmem>>, vector<16xf32>,
      %swap3A_337 = arith.constant 2592 : index
      %swap3A_338 = tpu.vector_load %arg4[%swap3A_337] {strides = array<i32>} : memref<4096xf32, #tpu.memory_space<vmem>>, vector<16xf32>,
      tpu.vector_store %arg4[%swap3A_337], %broadcast_in_dim3A_13 {strides = array<i32>} : memref<4096xf32, #tpu.memory_space<vmem>>, vector<16xf32>,
      %swap3A_339 = arith.constant 2608 : index
      %swap3A_340 = tpu.vector_load %arg4[%swap3A_339] {strides = array<i32>} : memref<4096xf32, #tpu.memory_space<vmem>>, vector<16xf32>,
      tpu.vector_store %arg4[%swap3A_339], %broadcast_in_dim3A_13 {strides = array<i32>} : memref<4096xf32, #tpu.memory_space<vmem>>, vector<16xf32>,
      %swap3A_341 = arith.constant 2624 : index
      %swap3A_342 = tpu.vector_load %arg4[%swap3A_341] {strides = array<i32>} : memref<4096xf32, #tpu.memory_space<vmem>>, vector<16xf32>,
      tpu.vector_store %arg4[%swap3A_341], %broadcast_in_dim3A_13 {strides = array<i32>} : memref<4096xf32, #tpu.memory_space<vmem>>, vector<16xf32>,
      %swap3A_343 = arith.constant 2640 : index
      %swap3A_344 = tpu.vector_load %arg4[%swap3A_343] {strides = array<i32>} : memref<4096xf32, #tpu.memory_space<vmem>>, vector<16xf32>,
      tpu.vector_store %arg4[%swap3A_343], %broadcast_in_dim3A_13 {strides = array<i32>} : memref<4096xf32, #tpu.memory_space<vmem>>, vector<16xf32>,
      %swap3A_345 = arith.constant 2656 : index
      %swap3A_346 = tpu.vector_load %arg4[%swap3A_345] {strides = array<i32>} : memref<4096xf32, #tpu.memory_space<vmem>>, vector<16xf32>,
      tpu.vector_store %arg4[%swap3A_345], %broadcast_in_dim3A_13 {strides = array<i32>} : memref<4096xf32, #tpu.memory_space<vmem>>, vector<16xf32>,
      %swap3A_347 = arith.constant 2672 : index
      %swap3A_348 = tpu.vector_load %arg4[%swap3A_347] {strides = array<i32>} : memref<4096xf32, #tpu.memory_space<vmem>>, vector<16xf32>,
      tpu.vector_store %arg4[%swap3A_347], %broadcast_in_dim3A_13 {strides = array<i32>} : memref<4096xf32, #tpu.memory_space<vmem>>, vector<16xf32>,
      %swap3A_349 = arith.constant 2688 : index
      %swap3A_350 = tpu.vector_load %arg4[%swap3A_349] {strides = array<i32>} : memref<4096xf32, #tpu.memory_space<vmem>>, vector<16xf32>,
      tpu.vector_store %arg4[%swap3A_349], %broadcast_in_dim3A_13 {strides = array<i32>} : memref<4096xf32, #tpu.memory_space<vmem>>, vector<16xf32>,
      %swap3A_351 = arith.constant 2704 : index
      %swap3A_352 = tpu.vector_load %arg4[%swap3A_351] {strides = array<i32>} : memref<4096xf32, #tpu.memory_space<vmem>>, vector<16xf32>,
      tpu.vector_store %arg4[%swap3A_351], %broadcast_in_dim3A_13 {strides = array<i32>} : memref<4096xf32, #tpu.memory_space<vmem>>, vector<16xf32>,
      %swap3A_353 = arith.constant 2720 : index
      %swap3A_354 = tpu.vector_load %arg4[%swap3A_353] {strides = array<i32>} : memref<4096xf32, #tpu.memory_space<vmem>>, vector<16xf32>,
      tpu.vector_store %arg4[%swap3A_353], %broadcast_in_dim3A_13 {strides = array<i32>} : memref<4096xf32, #tpu.memory_space<vmem>>, vector<16xf32>,
      %swap3A_355 = arith.constant 2736 : index
      %swap3A_356 = tpu.vector_load %arg4[%swap3A_355] {strides = array<i32>} : memref<4096xf32, #tpu.memory_space<vmem>>, vector<16xf32>,
      tpu.vector_store %arg4[%swap3A_355], %broadcast_in_dim3A_13 {strides = array<i32>} : memref<4096xf32, #tpu.memory_space<vmem>>, vector<16xf32>,
      %swap3A_357 = arith.constant 2752 : index
      %swap3A_358 = tpu.vector_load %arg4[%swap3A_357] {strides = array<i32>} : memref<4096xf32, #tpu.memory_space<vmem>>, vector<16xf32>,
      tpu.vector_store %arg4[%swap3A_357], %broadcast_in_dim3A_13 {strides = array<i32>} : memref<4096xf32, #tpu.memory_space<vmem>>, vector<16xf32>,
      %swap3A_359 = arith.constant 2768 : index
      %swap3A_360 = tpu.vector_load %arg4[%swap3A_359] {strides = array<i32>} : memref<4096xf32, #tpu.memory_space<vmem>>, vector<16xf32>,
      tpu.vector_store %arg4[%swap3A_359], %broadcast_in_dim3A_13 {strides = array<i32>} : memref<4096xf32, #tpu.memory_space<vmem>>, vector<16xf32>,
      %swap3A_361 = arith.constant 2784 : index
      %swap3A_362 = tpu.vector_load %arg4[%swap3A_361] {strides = array<i32>} : memref<4096xf32, #tpu.memory_space<vmem>>, vector<16xf32>,
      tpu.vector_store %arg4[%swap3A_361], %broadcast_in_dim3A_13 {strides = array<i32>} : memref<4096xf32, #tpu.memory_space<vmem>>, vector<16xf32>,
      %swap3A_363 = arith.constant 2800 : index
      %swap3A_364 = tpu.vector_load %arg4[%swap3A_363] {strides = array<i32>} : memref<4096xf32, #tpu.memory_space<vmem>>, vector<16xf32>,
      tpu.vector_store %arg4[%swap3A_363], %broadcast_in_dim3A_13 {strides = array<i32>} : memref<4096xf32, #tpu.memory_space<vmem>>, vector<16xf32>,
      %swap3A_365 = arith.constant 2816 : index
      %swap3A_366 = tpu.vector_load %arg4[%swap3A_365] {strides = array<i32>} : memref<4096xf32, #tpu.memory_space<vmem>>, vector<16xf32>,
      tpu.vector_store %arg4[%swap3A_365], %broadcast_in_dim3A_13 {strides = array<i32>} : memref<4096xf32, #tpu.memory_space<vmem>>, vector<16xf32>,
      %swap3A_367 = arith.constant 2832 : index
      %swap3A_368 = tpu.vector_load %arg4[%swap3A_367] {strides = array<i32>} : memref<4096xf32, #tpu.memory_space<vmem>>, vector<16xf32>,
      tpu.vector_store %arg4[%swap3A_367], %broadcast_in_dim3A_13 {strides = array<i32>} : memref<4096xf32, #tpu.memory_space<vmem>>, vector<16xf32>,
      %swap3A_369 = arith.constant 2848 : index
      %swap3A_370 = tpu.vector_load %arg4[%swap3A_369] {strides = array<i32>} : memref<4096xf32, #tpu.memory_space<vmem>>, vector<16xf32>,
      tpu.vector_store %arg4[%swap3A_369], %broadcast_in_dim3A_13 {strides = array<i32>} : memref<4096xf32, #tpu.memory_space<vmem>>, vector<16xf32>,
      %swap3A_371 = arith.constant 2864 : index
      %swap3A_372 = tpu.vector_load %arg4[%swap3A_371] {strides = array<i32>} : memref<4096xf32, #tpu.memory_space<vmem>>, vector<16xf32>,
      tpu.vector_store %arg4[%swap3A_371], %broadcast_in_dim3A_13 {strides = array<i32>} : memref<4096xf32, #tpu.memory_space<vmem>>, vector<16xf32>,
      %swap3A_373 = arith.constant 2880 : index
      %swap3A_374 = tpu.vector_load %arg4[%swap3A_373] {strides = array<i32>} : memref<4096xf32, #tpu.memory_space<vmem>>, vector<16xf32>,
      tpu.vector_store %arg4[%swap3A_373], %broadcast_in_dim3A_13 {strides = array<i32>} : memref<4096xf32, #tpu.memory_space<vmem>>, vector<16xf32>,
      %swap3A_375 = arith.constant 2896 : index
      %swap3A_376 = tpu.vector_load %arg4[%swap3A_375] {strides = array<i32>} : memref<4096xf32, #tpu.memory_space<vmem>>, vector<16xf32>,
      tpu.vector_store %arg4[%swap3A_375], %broadcast_in_dim3A_13 {strides = array<i32>} : memref<4096xf32, #tpu.memory_space<vmem>>, vector<16xf32>,
      %swap3A_377 = arith.constant 2912 : index
      %swap3A_378 = tpu.vector_load %arg4[%swap3A_377] {strides = array<i32>} : memref<4096xf32, #tpu.memory_space<vmem>>, vector<16xf32>,
      tpu.vector_store %arg4[%swap3A_377], %broadcast_in_dim3A_13 {strides = array<i32>} : memref<4096xf32, #tpu.memory_space<vmem>>, vector<16xf32>,
      %swap3A_379 = arith.constant 2928 : index
      %swap3A_380 = tpu.vector_load %arg4[%swap3A_379] {strides = array<i32>} : memref<4096xf32, #tpu.memory_space<vmem>>, vector<16xf32>,
      tpu.vector_store %arg4[%swap3A_379], %broadcast_in_dim3A_13 {strides = array<i32>} : memref<4096xf32, #tpu.memory_space<vmem>>, vector<16xf32>,
      %swap3A_381 = arith.constant 2944 : index
      %swap3A_382 = tpu.vector_load %arg4[%swap3A_381] {strides = array<i32>} : memref<4096xf32, #tpu.memory_space<vmem>>, vector<16xf32>,
      tpu.vector_store %arg4[%swap3A_381], %broadcast_in_dim3A_13 {strides = array<i32>} : memref<4096xf32, #tpu.memory_space<vmem>>, vector<16xf32>,
      %swap3A_383 = arith.constant 2960 : index
      %swap3A_384 = tpu.vector_load %arg4[%swap3A_383] {strides = array<i32>} : memref<4096xf32, #tpu.memory_space<vmem>>, vector<16xf32>,
      tpu.vector_store %arg4[%swap3A_383], %broadcast_in_dim3A_13 {strides = array<i32>} : memref<4096xf32, #tpu.memory_space<vmem>>, vector<16xf32>,
      %swap3A_385 = arith.constant 2976 : index
      %swap3A_386 = tpu.vector_load %arg4[%swap3A_385] {strides = array<i32>} : memref<4096xf32, #tpu.memory_space<vmem>>, vector<16xf32>,
      tpu.vector_store %arg4[%swap3A_385], %broadcast_in_dim3A_13 {strides = array<i32>} : memref<4096xf32, #tpu.memory_space<vmem>>, vector<16xf32>,
      %swap3A_387 = arith.constant 2992 : index
      %swap3A_388 = tpu.vector_load %arg4[%swap3A_387] {strides = array<i32>} : memref<4096xf32, #tpu.memory_space<vmem>>, vector<16xf32>,
      tpu.vector_store %arg4[%swap3A_387], %broadcast_in_dim3A_13 {strides = array<i32>} : memref<4096xf32, #tpu.memory_space<vmem>>, vector<16xf32>,
      %swap3A_389 = arith.constant 3008 : index
      %swap3A_390 = tpu.vector_load %arg4[%swap3A_389] {strides = array<i32>} : memref<4096xf32, #tpu.memory_space<vmem>>, vector<16xf32>,
      tpu.vector_store %arg4[%swap3A_389], %broadcast_in_dim3A_13 {strides = array<i32>} : memref<4096xf32, #tpu.memory_space<vmem>>, vector<16xf32>,
      %swap3A_391 = arith.constant 3024 : index
      %swap3A_392 = tpu.vector_load %arg4[%swap3A_391] {strides = array<i32>} : memref<4096xf32, #tpu.memory_space<vmem>>, vector<16xf32>,
      tpu.vector_store %arg4[%swap3A_391], %broadcast_in_dim3A_13 {strides = array<i32>} : memref<4096xf32, #tpu.memory_space<vmem>>, vector<16xf32>,
      %swap3A_393 = arith.constant 3040 : index
      %swap3A_394 = tpu.vector_load %arg4[%swap3A_393] {strides = array<i32>} : memref<4096xf32, #tpu.memory_space<vmem>>, vector<16xf32>,
      tpu.vector_store %arg4[%swap3A_393], %broadcast_in_dim3A_13 {strides = array<i32>} : memref<4096xf32, #tpu.memory_space<vmem>>, vector<16xf32>,
      %swap3A_395 = arith.constant 3056 : index
      %swap3A_396 = tpu.vector_load %arg4[%swap3A_395] {strides = array<i32>} : memref<4096xf32, #tpu.memory_space<vmem>>, vector<16xf32>,
      tpu.vector_store %arg4[%swap3A_395], %broadcast_in_dim3A_13 {strides = array<i32>} : memref<4096xf32, #tpu.memory_space<vmem>>, vector<16xf32>,
      %swap3A_397 = arith.constant 3072 : index
      %swap3A_398 = tpu.vector_load %arg4[%swap3A_397] {strides = array<i32>} : memref<4096xf32, #tpu.memory_space<vmem>>, vector<16xf32>,
      tpu.vector_store %arg4[%swap3A_397], %broadcast_in_dim3A_13 {strides = array<i32>} : memref<4096xf32, #tpu.memory_space<vmem>>, vector<16xf32>,
      %swap3A_399 = arith.constant 3088 : index
      %swap3A_400 = tpu.vector_load %arg4[%swap3A_399] {strides = array<i32>} : memref<4096xf32, #tpu.memory_space<vmem>>, vector<16xf32>,
      tpu.vector_store %arg4[%swap3A_399], %broadcast_in_dim3A_13 {strides = array<i32>} : memref<4096xf32, #tpu.memory_space<vmem>>, vector<16xf32>,
      %swap3A_401 = arith.constant 3104 : index
      %swap3A_402 = tpu.vector_load %arg4[%swap3A_401] {strides = array<i32>} : memref<4096xf32, #tpu.memory_space<vmem>>, vector<16xf32>,
      tpu.vector_store %arg4[%swap3A_401], %broadcast_in_dim3A_13 {strides = array<i32>} : memref<4096xf32, #tpu.memory_space<vmem>>, vector<16xf32>,
      %swap3A_403 = arith.constant 3120 : index
      %swap3A_404 = tpu.vector_load %arg4[%swap3A_403] {strides = array<i32>} : memref<4096xf32, #tpu.memory_space<vmem>>, vector<16xf32>,
      tpu.vector_store %arg4[%swap3A_403], %broadcast_in_dim3A_13 {strides = array<i32>} : memref<4096xf32, #tpu.memory_space<vmem>>, vector<16xf32>,
      %swap3A_405 = arith.constant 3136 : index
      %swap3A_406 = tpu.vector_load %arg4[%swap3A_405] {strides = array<i32>} : memref<4096xf32, #tpu.memory_space<vmem>>, vector<16xf32>,
      tpu.vector_store %arg4[%swap3A_405], %broadcast_in_dim3A_13 {strides = array<i32>} : memref<4096xf32, #tpu.memory_space<vmem>>, vector<16xf32>,
      %swap3A_407 = arith.constant 3152 : index
      %swap3A_408 = tpu.vector_load %arg4[%swap3A_407] {strides = array<i32>} : memref<4096xf32, #tpu.memory_space<vmem>>, vector<16xf32>,
      tpu.vector_store %arg4[%swap3A_407], %broadcast_in_dim3A_13 {strides = array<i32>} : memref<4096xf32, #tpu.memory_space<vmem>>, vector<16xf32>,
      %swap3A_409 = arith.constant 3168 : index
      %swap3A_410 = tpu.vector_load %arg4[%swap3A_409] {strides = array<i32>} : memref<4096xf32, #tpu.memory_space<vmem>>, vector<16xf32>,
      tpu.vector_store %arg4[%swap3A_409], %broadcast_in_dim3A_13 {strides = array<i32>} : memref<4096xf32, #tpu.memory_space<vmem>>, vector<16xf32>,
      %swap3A_411 = arith.constant 3184 : index
      %swap3A_412 = tpu.vector_load %arg4[%swap3A_411] {strides = array<i32>} : memref<4096xf32, #tpu.memory_space<vmem>>, vector<16xf32>,
      tpu.vector_store %arg4[%swap3A_411], %broadcast_in_dim3A_13 {strides = array<i32>} : memref<4096xf32, #tpu.memory_space<vmem>>, vector<16xf32>,
      %swap3A_413 = arith.constant 3200 : index
      %swap3A_414 = tpu.vector_load %arg4[%swap3A_413] {strides = array<i32>} : memref<4096xf32, #tpu.memory_space<vmem>>, vector<16xf32>,
      tpu.vector_store %arg4[%swap3A_413], %broadcast_in_dim3A_13 {strides = array<i32>} : memref<4096xf32, #tpu.memory_space<vmem>>, vector<16xf32>,
      %swap3A_415 = arith.constant 3216 : index
      %swap3A_416 = tpu.vector_load %arg4[%swap3A_415] {strides = array<i32>} : memref<4096xf32, #tpu.memory_space<vmem>>, vector<16xf32>,
      tpu.vector_store %arg4[%swap3A_415], %broadcast_in_dim3A_13 {strides = array<i32>} : memref<4096xf32, #tpu.memory_space<vmem>>, vector<16xf32>,
      %swap3A_417 = arith.constant 3232 : index
      %swap3A_418 = tpu.vector_load %arg4[%swap3A_417] {strides = array<i32>} : memref<4096xf32, #tpu.memory_space<vmem>>, vector<16xf32>,
      tpu.vector_store %arg4[%swap3A_417], %broadcast_in_dim3A_13 {strides = array<i32>} : memref<4096xf32, #tpu.memory_space<vmem>>, vector<16xf32>,
      %swap3A_419 = arith.constant 3248 : index
      %swap3A_420 = tpu.vector_load %arg4[%swap3A_419] {strides = array<i32>} : memref<4096xf32, #tpu.memory_space<vmem>>, vector<16xf32>,
      tpu.vector_store %arg4[%swap3A_419], %broadcast_in_dim3A_13 {strides = array<i32>} : memref<4096xf32, #tpu.memory_space<vmem>>, vector<16xf32>,
      %swap3A_421 = arith.constant 3264 : index
      %swap3A_422 = tpu.vector_load %arg4[%swap3A_421] {strides = array<i32>} : memref<4096xf32, #tpu.memory_space<vmem>>, vector<16xf32>,
      tpu.vector_store %arg4[%swap3A_421], %broadcast_in_dim3A_13 {strides = array<i32>} : memref<4096xf32, #tpu.memory_space<vmem>>, vector<16xf32>,
      %swap3A_423 = arith.constant 3280 : index
      %swap3A_424 = tpu.vector_load %arg4[%swap3A_423] {strides = array<i32>} : memref<4096xf32, #tpu.memory_space<vmem>>, vector<16xf32>,
      tpu.vector_store %arg4[%swap3A_423], %broadcast_in_dim3A_13 {strides = array<i32>} : memref<4096xf32, #tpu.memory_space<vmem>>, vector<16xf32>,
      %swap3A_425 = arith.constant 3296 : index
      %swap3A_426 = tpu.vector_load %arg4[%swap3A_425] {strides = array<i32>} : memref<4096xf32, #tpu.memory_space<vmem>>, vector<16xf32>,
      tpu.vector_store %arg4[%swap3A_425], %broadcast_in_dim3A_13 {strides = array<i32>} : memref<4096xf32, #tpu.memory_space<vmem>>, vector<16xf32>,
      %swap3A_427 = arith.constant 3312 : index
      %swap3A_428 = tpu.vector_load %arg4[%swap3A_427] {strides = array<i32>} : memref<4096xf32, #tpu.memory_space<vmem>>, vector<16xf32>,
      tpu.vector_store %arg4[%swap3A_427], %broadcast_in_dim3A_13 {strides = array<i32>} : memref<4096xf32, #tpu.memory_space<vmem>>, vector<16xf32>,
      %swap3A_429 = arith.constant 3328 : index
      %swap3A_430 = tpu.vector_load %arg4[%swap3A_429] {strides = array<i32>} : memref<4096xf32, #tpu.memory_space<vmem>>, vector<16xf32>,
      tpu.vector_store %arg4[%swap3A_429], %broadcast_in_dim3A_13 {strides = array<i32>} : memref<4096xf32, #tpu.memory_space<vmem>>, vector<16xf32>,
      %swap3A_431 = arith.constant 3344 : index
      %swap3A_432 = tpu.vector_load %arg4[%swap3A_431] {strides = array<i32>} : memref<4096xf32, #tpu.memory_space<vmem>>, vector<16xf32>,
      tpu.vector_store %arg4[%swap3A_431], %broadcast_in_dim3A_13 {strides = array<i32>} : memref<4096xf32, #tpu.memory_space<vmem>>, vector<16xf32>,
      %swap3A_433 = arith.constant 3360 : index
      %swap3A_434 = tpu.vector_load %arg4[%swap3A_433] {strides = array<i32>} : memref<4096xf32, #tpu.memory_space<vmem>>, vector<16xf32>,
      tpu.vector_store %arg4[%swap3A_433], %broadcast_in_dim3A_13 {strides = array<i32>} : memref<4096xf32, #tpu.memory_space<vmem>>, vector<16xf32>,
      %swap3A_435 = arith.constant 3376 : index
      %swap3A_436 = tpu.vector_load %arg4[%swap3A_435] {strides = array<i32>} : memref<4096xf32, #tpu.memory_space<vmem>>, vector<16xf32>,
      tpu.vector_store %arg4[%swap3A_435], %broadcast_in_dim3A_13 {strides = array<i32>} : memref<4096xf32, #tpu.memory_space<vmem>>, vector<16xf32>,
      %swap3A_437 = arith.constant 3392 : index
      %swap3A_438 = tpu.vector_load %arg4[%swap3A_437] {strides = array<i32>} : memref<4096xf32, #tpu.memory_space<vmem>>, vector<16xf32>,
      tpu.vector_store %arg4[%swap3A_437], %broadcast_in_dim3A_13 {strides = array<i32>} : memref<4096xf32, #tpu.memory_space<vmem>>, vector<16xf32>,
      %swap3A_439 = arith.constant 3408 : index
      %swap3A_440 = tpu.vector_load %arg4[%swap3A_439] {strides = array<i32>} : memref<4096xf32, #tpu.memory_space<vmem>>, vector<16xf32>,
      tpu.vector_store %arg4[%swap3A_439], %broadcast_in_dim3A_13 {strides = array<i32>} : memref<4096xf32, #tpu.memory_space<vmem>>, vector<16xf32>,
      %swap3A_441 = arith.constant 3424 : index
      %swap3A_442 = tpu.vector_load %arg4[%swap3A_441] {strides = array<i32>} : memref<4096xf32, #tpu.memory_space<vmem>>, vector<16xf32>,
      tpu.vector_store %arg4[%swap3A_441], %broadcast_in_dim3A_13 {strides = array<i32>} : memref<4096xf32, #tpu.memory_space<vmem>>, vector<16xf32>,
      %swap3A_443 = arith.constant 3440 : index
      %swap3A_444 = tpu.vector_load %arg4[%swap3A_443] {strides = array<i32>} : memref<4096xf32, #tpu.memory_space<vmem>>, vector<16xf32>,
      tpu.vector_store %arg4[%swap3A_443], %broadcast_in_dim3A_13 {strides = array<i32>} : memref<4096xf32, #tpu.memory_space<vmem>>, vector<16xf32>,
      %swap3A_445 = arith.constant 3456 : index
      %swap3A_446 = tpu.vector_load %arg4[%swap3A_445] {strides = array<i32>} : memref<4096xf32, #tpu.memory_space<vmem>>, vector<16xf32>,
      tpu.vector_store %arg4[%swap3A_445], %broadcast_in_dim3A_13 {strides = array<i32>} : memref<4096xf32, #tpu.memory_space<vmem>>, vector<16xf32>,
      %swap3A_447 = arith.constant 3472 : index
      %swap3A_448 = tpu.vector_load %arg4[%swap3A_447] {strides = array<i32>} : memref<4096xf32, #tpu.memory_space<vmem>>, vector<16xf32>,
      tpu.vector_store %arg4[%swap3A_447], %broadcast_in_dim3A_13 {strides = array<i32>} : memref<4096xf32, #tpu.memory_space<vmem>>, vector<16xf32>,
      %swap3A_449 = arith.constant 3488 : index
      %swap3A_450 = tpu.vector_load %arg4[%swap3A_449] {strides = array<i32>} : memref<4096xf32, #tpu.memory_space<vmem>>, vector<16xf32>,
      tpu.vector_store %arg4[%swap3A_449], %broadcast_in_dim3A_13 {strides = array<i32>} : memref<4096xf32, #tpu.memory_space<vmem>>, vector<16xf32>,
      %swap3A_451 = arith.constant 3504 : index
      %swap3A_452 = tpu.vector_load %arg4[%swap3A_451] {strides = array<i32>} : memref<4096xf32, #tpu.memory_space<vmem>>, vector<16xf32>,
      tpu.vector_store %arg4[%swap3A_451], %broadcast_in_dim3A_13 {strides = array<i32>} : memref<4096xf32, #tpu.memory_space<vmem>>, vector<16xf32>,
      %swap3A_453 = arith.constant 3520 : index
      %swap3A_454 = tpu.vector_load %arg4[%swap3A_453] {strides = array<i32>} : memref<4096xf32, #tpu.memory_space<vmem>>, vector<16xf32>,
      tpu.vector_store %arg4[%swap3A_453], %broadcast_in_dim3A_13 {strides = array<i32>} : memref<4096xf32, #tpu.memory_space<vmem>>, vector<16xf32>,
      %swap3A_455 = arith.constant 3536 : index
      %swap3A_456 = tpu.vector_load %arg4[%swap3A_455] {strides = array<i32>} : memref<4096xf32, #tpu.memory_space<vmem>>, vector<16xf32>,
      tpu.vector_store %arg4[%swap3A_455], %broadcast_in_dim3A_13 {strides = array<i32>} : memref<4096xf32, #tpu.memory_space<vmem>>, vector<16xf32>,
      %swap3A_457 = arith.constant 3552 : index
      %swap3A_458 = tpu.vector_load %arg4[%swap3A_457] {strides = array<i32>} : memref<4096xf32, #tpu.memory_space<vmem>>, vector<16xf32>,
      tpu.vector_store %arg4[%swap3A_457], %broadcast_in_dim3A_13 {strides = array<i32>} : memref<4096xf32, #tpu.memory_space<vmem>>, vector<16xf32>,
      %swap3A_459 = arith.constant 3568 : index
      %swap3A_460 = tpu.vector_load %arg4[%swap3A_459] {strides = array<i32>} : memref<4096xf32, #tpu.memory_space<vmem>>, vector<16xf32>,
      tpu.vector_store %arg4[%swap3A_459], %broadcast_in_dim3A_13 {strides = array<i32>} : memref<4096xf32, #tpu.memory_space<vmem>>, vector<16xf32>,
      %swap3A_461 = arith.constant 3584 : index
      %swap3A_462 = tpu.vector_load %arg4[%swap3A_461] {strides = array<i32>} : memref<4096xf32, #tpu.memory_space<vmem>>, vector<16xf32>,
      tpu.vector_store %arg4[%swap3A_461], %broadcast_in_dim3A_13 {strides = array<i32>} : memref<4096xf32, #tpu.memory_space<vmem>>, vector<16xf32>,
      %swap3A_463 = arith.constant 3600 : index
      %swap3A_464 = tpu.vector_load %arg4[%swap3A_463] {strides = array<i32>} : memref<4096xf32, #tpu.memory_space<vmem>>, vector<16xf32>,
      tpu.vector_store %arg4[%swap3A_463], %broadcast_in_dim3A_13 {strides = array<i32>} : memref<4096xf32, #tpu.memory_space<vmem>>, vector<16xf32>,
      %swap3A_465 = arith.constant 3616 : index
      %swap3A_466 = tpu.vector_load %arg4[%swap3A_465] {strides = array<i32>} : memref<4096xf32, #tpu.memory_space<vmem>>, vector<16xf32>,
      tpu.vector_store %arg4[%swap3A_465], %broadcast_in_dim3A_13 {strides = array<i32>} : memref<4096xf32, #tpu.memory_space<vmem>>, vector<16xf32>,
      %swap3A_467 = arith.constant 3632 : index
      %swap3A_468 = tpu.vector_load %arg4[%swap3A_467] {strides = array<i32>} : memref<4096xf32, #tpu.memory_space<vmem>>, vector<16xf32>,
      tpu.vector_store %arg4[%swap3A_467], %broadcast_in_dim3A_13 {strides = array<i32>} : memref<4096xf32, #tpu.memory_space<vmem>>, vector<16xf32>,
      %swap3A_469 = arith.constant 3648 : index
      %swap3A_470 = tpu.vector_load %arg4[%swap3A_469] {strides = array<i32>} : memref<4096xf32, #tpu.memory_space<vmem>>, vector<16xf32>,
      tpu.vector_store %arg4[%swap3A_469], %broadcast_in_dim3A_13 {strides = array<i32>} : memref<4096xf32, #tpu.memory_space<vmem>>, vector<16xf32>,
      %swap3A_471 = arith.constant 3664 : index
      %swap3A_472 = tpu.vector_load %arg4[%swap3A_471] {strides = array<i32>} : memref<4096xf32, #tpu.memory_space<vmem>>, vector<16xf32>,
      tpu.vector_store %arg4[%swap3A_471], %broadcast_in_dim3A_13 {strides = array<i32>} : memref<4096xf32, #tpu.memory_space<vmem>>, vector<16xf32>,
      %swap3A_473 = arith.constant 3680 : index
      %swap3A_474 = tpu.vector_load %arg4[%swap3A_473] {strides = array<i32>} : memref<4096xf32, #tpu.memory_space<vmem>>, vector<16xf32>,
      tpu.vector_store %arg4[%swap3A_473], %broadcast_in_dim3A_13 {strides = array<i32>} : memref<4096xf32, #tpu.memory_space<vmem>>, vector<16xf32>,
      %swap3A_475 = arith.constant 3696 : index
      %swap3A_476 = tpu.vector_load %arg4[%swap3A_475] {strides = array<i32>} : memref<4096xf32, #tpu.memory_space<vmem>>, vector<16xf32>,
      tpu.vector_store %arg4[%swap3A_475], %broadcast_in_dim3A_13 {strides = array<i32>} : memref<4096xf32, #tpu.memory_space<vmem>>, vector<16xf32>,
      %swap3A_477 = arith.constant 3712 : index
      %swap3A_478 = tpu.vector_load %arg4[%swap3A_477] {strides = array<i32>} : memref<4096xf32, #tpu.memory_space<vmem>>, vector<16xf32>,
      tpu.vector_store %arg4[%swap3A_477], %broadcast_in_dim3A_13 {strides = array<i32>} : memref<4096xf32, #tpu.memory_space<vmem>>, vector<16xf32>,
      %swap3A_479 = arith.constant 3728 : index
      %swap3A_480 = tpu.vector_load %arg4[%swap3A_479] {strides = array<i32>} : memref<4096xf32, #tpu.memory_space<vmem>>, vector<16xf32>,
      tpu.vector_store %arg4[%swap3A_479], %broadcast_in_dim3A_13 {strides = array<i32>} : memref<4096xf32, #tpu.memory_space<vmem>>, vector<16xf32>,
      %swap3A_481 = arith.constant 3744 : index
      %swap3A_482 = tpu.vector_load %arg4[%swap3A_481] {strides = array<i32>} : memref<4096xf32, #tpu.memory_space<vmem>>, vector<16xf32>,
      tpu.vector_store %arg4[%swap3A_481], %broadcast_in_dim3A_13 {strides = array<i32>} : memref<4096xf32, #tpu.memory_space<vmem>>, vector<16xf32>,
      %swap3A_483 = arith.constant 3760 : index
      %swap3A_484 = tpu.vector_load %arg4[%swap3A_483] {strides = array<i32>} : memref<4096xf32, #tpu.memory_space<vmem>>, vector<16xf32>,
      tpu.vector_store %arg4[%swap3A_483], %broadcast_in_dim3A_13 {strides = array<i32>} : memref<4096xf32, #tpu.memory_space<vmem>>, vector<16xf32>,
      %swap3A_485 = arith.constant 3776 : index
      %swap3A_486 = tpu.vector_load %arg4[%swap3A_485] {strides = array<i32>} : memref<4096xf32, #tpu.memory_space<vmem>>, vector<16xf32>,
      tpu.vector_store %arg4[%swap3A_485], %broadcast_in_dim3A_13 {strides = array<i32>} : memref<4096xf32, #tpu.memory_space<vmem>>, vector<16xf32>,
      %swap3A_487 = arith.constant 3792 : index
      %swap3A_488 = tpu.vector_load %arg4[%swap3A_487] {strides = array<i32>} : memref<4096xf32, #tpu.memory_space<vmem>>, vector<16xf32>,
      tpu.vector_store %arg4[%swap3A_487], %broadcast_in_dim3A_13 {strides = array<i32>} : memref<4096xf32, #tpu.memory_space<vmem>>, vector<16xf32>,
      %swap3A_489 = arith.constant 3808 : index
      %swap3A_490 = tpu.vector_load %arg4[%swap3A_489] {strides = array<i32>} : memref<4096xf32, #tpu.memory_space<vmem>>, vector<16xf32>,
      tpu.vector_store %arg4[%swap3A_489], %broadcast_in_dim3A_13 {strides = array<i32>} : memref<4096xf32, #tpu.memory_space<vmem>>, vector<16xf32>,
      %swap3A_491 = arith.constant 3824 : index
      %swap3A_492 = tpu.vector_load %arg4[%swap3A_491] {strides = array<i32>} : memref<4096xf32, #tpu.memory_space<vmem>>, vector<16xf32>,
      tpu.vector_store %arg4[%swap3A_491], %broadcast_in_dim3A_13 {strides = array<i32>} : memref<4096xf32, #tpu.memory_space<vmem>>, vector<16xf32>,
      %swap3A_493 = arith.constant 3840 : index
      %swap3A_494 = tpu.vector_load %arg4[%swap3A_493] {strides = array<i32>} : memref<4096xf32, #tpu.memory_space<vmem>>, vector<16xf32>,
      tpu.vector_store %arg4[%swap3A_493], %broadcast_in_dim3A_13 {strides = array<i32>} : memref<4096xf32, #tpu.memory_space<vmem>>, vector<16xf32>,
      %swap3A_495 = arith.constant 3856 : index
      %swap3A_496 = tpu.vector_load %arg4[%swap3A_495] {strides = array<i32>} : memref<4096xf32, #tpu.memory_space<vmem>>, vector<16xf32>,
      tpu.vector_store %arg4[%swap3A_495], %broadcast_in_dim3A_13 {strides = array<i32>} : memref<4096xf32, #tpu.memory_space<vmem>>, vector<16xf32>,
      %swap3A_497 = arith.constant 3872 : index
      %swap3A_498 = tpu.vector_load %arg4[%swap3A_497] {strides = array<i32>} : memref<4096xf32, #tpu.memory_space<vmem>>, vector<16xf32>,
      tpu.vector_store %arg4[%swap3A_497], %broadcast_in_dim3A_13 {strides = array<i32>} : memref<4096xf32, #tpu.memory_space<vmem>>, vector<16xf32>,
      %swap3A_499 = arith.constant 3888 : index
      %swap3A_500 = tpu.vector_load %arg4[%swap3A_499] {strides = array<i32>} : memref<4096xf32, #tpu.memory_space<vmem>>, vector<16xf32>,
      tpu.vector_store %arg4[%swap3A_499], %broadcast_in_dim3A_13 {strides = array<i32>} : memref<4096xf32, #tpu.memory_space<vmem>>, vector<16xf32>,
      %swap3A_501 = arith.constant 3904 : index
      %swap3A_502 = tpu.vector_load %arg4[%swap3A_501] {strides = array<i32>} : memref<4096xf32, #tpu.memory_space<vmem>>, vector<16xf32>,
      tpu.vector_store %arg4[%swap3A_501], %broadcast_in_dim3A_13 {strides = array<i32>} : memref<4096xf32, #tpu.memory_space<vmem>>, vector<16xf32>,
      %swap3A_503 = arith.constant 3920 : index
      %swap3A_504 = tpu.vector_load %arg4[%swap3A_503] {strides = array<i32>} : memref<4096xf32, #tpu.memory_space<vmem>>, vector<16xf32>,
      tpu.vector_store %arg4[%swap3A_503], %broadcast_in_dim3A_13 {strides = array<i32>} : memref<4096xf32, #tpu.memory_space<vmem>>, vector<16xf32>,
      %swap3A_505 = arith.constant 3936 : index
      %swap3A_506 = tpu.vector_load %arg4[%swap3A_505] {strides = array<i32>} : memref<4096xf32, #tpu.memory_space<vmem>>, vector<16xf32>,
      tpu.vector_store %arg4[%swap3A_505], %broadcast_in_dim3A_13 {strides = array<i32>} : memref<4096xf32, #tpu.memory_space<vmem>>, vector<16xf32>,
      %swap3A_507 = arith.constant 3952 : index
      %swap3A_508 = tpu.vector_load %arg4[%swap3A_507] {strides = array<i32>} : memref<4096xf32, #tpu.memory_space<vmem>>, vector<16xf32>,
      tpu.vector_store %arg4[%swap3A_507], %broadcast_in_dim3A_13 {strides = array<i32>} : memref<4096xf32, #tpu.memory_space<vmem>>, vector<16xf32>,
      %swap3A_509 = arith.constant 3968 : index
      %swap3A_510 = tpu.vector_load %arg4[%swap3A_509] {strides = array<i32>} : memref<4096xf32, #tpu.memory_space<vmem>>, vector<16xf32>,
      tpu.vector_store %arg4[%swap3A_509], %broadcast_in_dim3A_13 {strides = array<i32>} : memref<4096xf32, #tpu.memory_space<vmem>>, vector<16xf32>,
      %swap3A_511 = arith.constant 3984 : index
      %swap3A_512 = tpu.vector_load %arg4[%swap3A_511] {strides = array<i32>} : memref<4096xf32, #tpu.memory_space<vmem>>, vector<16xf32>,
      tpu.vector_store %arg4[%swap3A_511], %broadcast_in_dim3A_13 {strides = array<i32>} : memref<4096xf32, #tpu.memory_space<vmem>>, vector<16xf32>,
      %swap3A_513 = arith.constant 4000 : index
      %swap3A_514 = tpu.vector_load %arg4[%swap3A_513] {strides = array<i32>} : memref<4096xf32, #tpu.memory_space<vmem>>, vector<16xf32>,
      tpu.vector_store %arg4[%swap3A_513], %broadcast_in_dim3A_13 {strides = array<i32>} : memref<4096xf32, #tpu.memory_space<vmem>>, vector<16xf32>,
      %swap3A_515 = arith.constant 4016 : index
      %swap3A_516 = tpu.vector_load %arg4[%swap3A_515] {strides = array<i32>} : memref<4096xf32, #tpu.memory_space<vmem>>, vector<16xf32>,
      tpu.vector_store %arg4[%swap3A_515], %broadcast_in_dim3A_13 {strides = array<i32>} : memref<4096xf32, #tpu.memory_space<vmem>>, vector<16xf32>,
      %swap3A_517 = arith.constant 4032 : index
      %swap3A_518 = tpu.vector_load %arg4[%swap3A_517] {strides = array<i32>} : memref<4096xf32, #tpu.memory_space<vmem>>, vector<16xf32>,
      tpu.vector_store %arg4[%swap3A_517], %broadcast_in_dim3A_13 {strides = array<i32>} : memref<4096xf32, #tpu.memory_space<vmem>>, vector<16xf32>,
      %swap3A_519 = arith.constant 4048 : index
      %swap3A_520 = tpu.vector_load %arg4[%swap3A_519] {strides = array<i32>} : memref<4096xf32, #tpu.memory_space<vmem>>, vector<16xf32>,
      tpu.vector_store %arg4[%swap3A_519], %broadcast_in_dim3A_13 {strides = array<i32>} : memref<4096xf32, #tpu.memory_space<vmem>>, vector<16xf32>,
      %swap3A_521 = arith.constant 4064 : index
      %swap3A_522 = tpu.vector_load %arg4[%swap3A_521] {strides = array<i32>} : memref<4096xf32, #tpu.memory_space<vmem>>, vector<16xf32>,
      tpu.vector_store %arg4[%swap3A_521], %broadcast_in_dim3A_13 {strides = array<i32>} : memref<4096xf32, #tpu.memory_space<vmem>>, vector<16xf32>,
      %swap3A_523 = arith.constant 4080 : index
      %swap3A_524 = tpu.vector_load %arg4[%swap3A_523] {strides = array<i32>} : memref<4096xf32, #tpu.memory_space<vmem>>, vector<16xf32>,
      tpu.vector_store %arg4[%swap3A_523], %broadcast_in_dim3A_13 {strides = array<i32>} : memref<4096xf32, #tpu.memory_space<vmem>>, vector<16xf32>,
      %broadcast_in_dim3A_525 = arith.constant 1.000000e+00 : f32
      %broadcast_in_dim3A_526 = vector.broadcast %broadcast_in_dim3A_525 : f32 to vector<16xf32>
      %swap3A_527 = arith.constant 0 : index
      %swap3A_528 = tpu.vector_load %arg5[%swap3A_527] {strides = array<i32>} : memref<128xf32, #tpu.memory_space<vmem>>, vector<16xf32>,
      tpu.vector_store %arg5[%swap3A_527], %broadcast_in_dim3A_526 {strides = array<i32>} : memref<128xf32, #tpu.memory_space<vmem>>, vector<16xf32>,
      %broadcast_in_dim3A_529 = arith.constant 1.000000e+00 : f32
      %broadcast_in_dim3A_530 = vector.broadcast %broadcast_in_dim3A_529 : f32 to vector<16xf32>
      %swap3A_531 = arith.constant 16 : index
      %swap3A_532 = tpu.vector_load %arg5[%swap3A_531] {strides = array<i32>} : memref<128xf32, #tpu.memory_space<vmem>>, vector<16xf32>,
      tpu.vector_store %arg5[%swap3A_531], %broadcast_in_dim3A_530 {strides = array<i32>} : memref<128xf32, #tpu.memory_space<vmem>>, vector<16xf32>,
      %broadcast_in_dim3A_533 = arith.constant 1.000000e+00 : f32
      %broadcast_in_dim3A_534 = vector.broadcast %broadcast_in_dim3A_533 : f32 to vector<16xf32>
      %swap3A_535 = arith.constant 32 : index
      %swap3A_536 = tpu.vector_load %arg5[%swap3A_535] {strides = array<i32>} : memref<128xf32, #tpu.memory_space<vmem>>, vector<16xf32>,
      tpu.vector_store %arg5[%swap3A_535], %broadcast_in_dim3A_534 {strides = array<i32>} : memref<128xf32, #tpu.memory_space<vmem>>, vector<16xf32>,
      %broadcast_in_dim3A_537 = arith.constant 1.000000e+00 : f32
      %broadcast_in_dim3A_538 = vector.broadcast %broadcast_in_dim3A_537 : f32 to vector<16xf32>
      %swap3A_539 = arith.constant 48 : index
      %swap3A_540 = tpu.vector_load %arg5[%swap3A_539] {strides = array<i32>} : memref<128xf32, #tpu.memory_space<vmem>>, vector<16xf32>,
      tpu.vector_store %arg5[%swap3A_539], %broadcast_in_dim3A_538 {strides = array<i32>} : memref<128xf32, #tpu.memory_space<vmem>>, vector<16xf32>,
      %broadcast_in_dim3A_541 = arith.constant 1.000000e+00 : f32
      %broadcast_in_dim3A_542 = vector.broadcast %broadcast_in_dim3A_541 : f32 to vector<16xf32>
      %swap3A_543 = arith.constant 64 : index
      %swap3A_544 = tpu.vector_load %arg5[%swap3A_543] {strides = array<i32>} : memref<128xf32, #tpu.memory_space<vmem>>, vector<16xf32>,
      tpu.vector_store %arg5[%swap3A_543], %broadcast_in_dim3A_542 {strides = array<i32>} : memref<128xf32, #tpu.memory_space<vmem>>, vector<16xf32>,
      %broadcast_in_dim3A_545 = arith.constant 1.000000e+00 : f32
      %broadcast_in_dim3A_546 = vector.broadcast %broadcast_in_dim3A_545 : f32 to vector<16xf32>
      %swap3A_547 = arith.constant 80 : index
      %swap3A_548 = tpu.vector_load %arg5[%swap3A_547] {strides = array<i32>} : memref<128xf32, #tpu.memory_space<vmem>>, vector<16xf32>,
      tpu.vector_store %arg5[%swap3A_547], %broadcast_in_dim3A_546 {strides = array<i32>} : memref<128xf32, #tpu.memory_space<vmem>>, vector<16xf32>,
      %broadcast_in_dim3A_549 = arith.constant 1.000000e+00 : f32
      %broadcast_in_dim3A_550 = vector.broadcast %broadcast_in_dim3A_549 : f32 to vector<16xf32>
      %swap3A_551 = arith.constant 96 : index
      %swap3A_552 = tpu.vector_load %arg5[%swap3A_551] {strides = array<i32>} : memref<128xf32, #tpu.memory_space<vmem>>, vector<16xf32>,
      tpu.vector_store %arg5[%swap3A_551], %broadcast_in_dim3A_550 {strides = array<i32>} : memref<128xf32, #tpu.memory_space<vmem>>, vector<16xf32>,
      %broadcast_in_dim3A_553 = arith.constant 1.000000e+00 : f32
      %broadcast_in_dim3A_554 = vector.broadcast %broadcast_in_dim3A_553 : f32 to vector<16xf32>
      %swap3A_555 = arith.constant 112 : index
      %swap3A_556 = tpu.vector_load %arg5[%swap3A_555] {strides = array<i32>} : memref<128xf32, #tpu.memory_space<vmem>>, vector<16xf32>,
      tpu.vector_store %arg5[%swap3A_555], %broadcast_in_dim3A_554 {strides = array<i32>} : memref<128xf32, #tpu.memory_space<vmem>>, vector<16xf32>,
      %mul3A = arith.constant 62528 : i32
      %mul3A_557 = arith.muli %arg1, %mul3A : i32
      %add3A = arith.constant 0 : i32
      %add3A_558 = arith.addi %mul3A_557, %add3A : i32
      "tpu.region"() ({
        %run_scoped3A_628 = tpu.sem_alloc : memref<!tpu.dma_semaphore, #tpu.memory_space<semaphore_mem>>
        %dma_start3A = tpu.memref_slice %arg7[%add3A_558] : memref<1000448xf32, #tpu.memory_space<vmem_shared>> -> memref<4096xf32, #tpu.memory_space<vmem_shared>>
        %dma_start3A_629 = tpu.memref_slice %arg7[%add3A_558] : memref<1000448xf32, #tpu.memory_space<vmem_shared>> -> memref<4096xf32, #tpu.memory_space<vmem_shared>>
        tpu.enqueue_dma source(%arg4 : memref<4096xf32, #tpu.memory_space<vmem>>) target(%dma_start3A_629 : memref<4096xf32, #tpu.memory_space<vmem_shared>>) target_semaphore(%run_scoped3A_628 : memref<!tpu.dma_semaphore, #tpu.memory_space<semaphore_mem>>)
        %dma_wait3A = tpu.memref_slice %arg7[%add3A_558] : memref<1000448xf32, #tpu.memory_space<vmem_shared>> -> memref<4096xf32, #tpu.memory_space<vmem_shared>>
        %dma_wait3A_630 = tpu.memref_slice %arg7[%add3A_558] : memref<1000448xf32, #tpu.memory_space<vmem_shared>> -> memref<4096xf32, #tpu.memory_space<vmem_shared>>
        tpu.wait_dma2 semaphore(%run_scoped3A_628 : memref<!tpu.dma_semaphore, #tpu.memory_space<semaphore_mem>>) src(%arg4 : memref<4096xf32, #tpu.memory_space<vmem>>) dst(%dma_wait3A_630 : memref<4096xf32, #tpu.memory_space<vmem_shared>>)
        tpu.yield
      }) : () -> ()
      %add3A_559 = arith.constant 4096 : i32
      %add3A_560 = arith.addi %mul3A_557, %add3A_559 : i32
      "tpu.region"() ({
        %run_scoped3A_628 = tpu.sem_alloc : memref<!tpu.dma_semaphore, #tpu.memory_space<semaphore_mem>>
        %dma_start3A = tpu.memref_slice %arg7[%add3A_560] : memref<1000448xf32, #tpu.memory_space<vmem_shared>> -> memref<4096xf32, #tpu.memory_space<vmem_shared>>
        %dma_start3A_629 = tpu.memref_slice %arg7[%add3A_560] : memref<1000448xf32, #tpu.memory_space<vmem_shared>> -> memref<4096xf32, #tpu.memory_space<vmem_shared>>
        tpu.enqueue_dma source(%arg4 : memref<4096xf32, #tpu.memory_space<vmem>>) target(%dma_start3A_629 : memref<4096xf32, #tpu.memory_space<vmem_shared>>) target_semaphore(%run_scoped3A_628 : memref<!tpu.dma_semaphore, #tpu.memory_space<semaphore_mem>>)
        %dma_wait3A = tpu.memref_slice %arg7[%add3A_560] : memref<1000448xf32, #tpu.memory_space<vmem_shared>> -> memref<4096xf32, #tpu.memory_space<vmem_shared>>
        %dma_wait3A_630 = tpu.memref_slice %arg7[%add3A_560] : memref<1000448xf32, #tpu.memory_space<vmem_shared>> -> memref<4096xf32, #tpu.memory_space<vmem_shared>>
        tpu.wait_dma2 semaphore(%run_scoped3A_628 : memref<!tpu.dma_semaphore, #tpu.memory_space<semaphore_mem>>) src(%arg4 : memref<4096xf32, #tpu.memory_space<vmem>>) dst(%dma_wait3A_630 : memref<4096xf32, #tpu.memory_space<vmem_shared>>)
        tpu.yield
      }) : () -> ()
      %add3A_561 = arith.constant 8192 : i32
      %add3A_562 = arith.addi %mul3A_557, %add3A_561 : i32
      "tpu.region"() ({
        %run_scoped3A_628 = tpu.sem_alloc : memref<!tpu.dma_semaphore, #tpu.memory_space<semaphore_mem>>
        %dma_start3A = tpu.memref_slice %arg7[%add3A_562] : memref<1000448xf32, #tpu.memory_space<vmem_shared>> -> memref<4096xf32, #tpu.memory_space<vmem_shared>>
        %dma_start3A_629 = tpu.memref_slice %arg7[%add3A_562] : memref<1000448xf32, #tpu.memory_space<vmem_shared>> -> memref<4096xf32, #tpu.memory_space<vmem_shared>>
        tpu.enqueue_dma source(%arg4 : memref<4096xf32, #tpu.memory_space<vmem>>) target(%dma_start3A_629 : memref<4096xf32, #tpu.memory_space<vmem_shared>>) target_semaphore(%run_scoped3A_628 : memref<!tpu.dma_semaphore, #tpu.memory_space<semaphore_mem>>)
        %dma_wait3A = tpu.memref_slice %arg7[%add3A_562] : memref<1000448xf32, #tpu.memory_space<vmem_shared>> -> memref<4096xf32, #tpu.memory_space<vmem_shared>>
        %dma_wait3A_630 = tpu.memref_slice %arg7[%add3A_562] : memref<1000448xf32, #tpu.memory_space<vmem_shared>> -> memref<4096xf32, #tpu.memory_space<vmem_shared>>
        tpu.wait_dma2 semaphore(%run_scoped3A_628 : memref<!tpu.dma_semaphore, #tpu.memory_space<semaphore_mem>>) src(%arg4 : memref<4096xf32, #tpu.memory_space<vmem>>) dst(%dma_wait3A_630 : memref<4096xf32, #tpu.memory_space<vmem_shared>>)
        tpu.yield
      }) : () -> ()
      %add3A_563 = arith.constant 12288 : i32
      %add3A_564 = arith.addi %mul3A_557, %add3A_563 : i32
      "tpu.region"() ({
        %run_scoped3A_628 = tpu.sem_alloc : memref<!tpu.dma_semaphore, #tpu.memory_space<semaphore_mem>>
        %dma_start3A = tpu.memref_slice %arg7[%add3A_564] : memref<1000448xf32, #tpu.memory_space<vmem_shared>> -> memref<4096xf32, #tpu.memory_space<vmem_shared>>
        %dma_start3A_629 = tpu.memref_slice %arg7[%add3A_564] : memref<1000448xf32, #tpu.memory_space<vmem_shared>> -> memref<4096xf32, #tpu.memory_space<vmem_shared>>
        tpu.enqueue_dma source(%arg4 : memref<4096xf32, #tpu.memory_space<vmem>>) target(%dma_start3A_629 : memref<4096xf32, #tpu.memory_space<vmem_shared>>) target_semaphore(%run_scoped3A_628 : memref<!tpu.dma_semaphore, #tpu.memory_space<semaphore_mem>>)
        %dma_wait3A = tpu.memref_slice %arg7[%add3A_564] : memref<1000448xf32, #tpu.memory_space<vmem_shared>> -> memref<4096xf32, #tpu.memory_space<vmem_shared>>
        %dma_wait3A_630 = tpu.memref_slice %arg7[%add3A_564] : memref<1000448xf32, #tpu.memory_space<vmem_shared>> -> memref<4096xf32, #tpu.memory_space<vmem_shared>>
        tpu.wait_dma2 semaphore(%run_scoped3A_628 : memref<!tpu.dma_semaphore, #tpu.memory_space<semaphore_mem>>) src(%arg4 : memref<4096xf32, #tpu.memory_space<vmem>>) dst(%dma_wait3A_630 : memref<4096xf32, #tpu.memory_space<vmem_shared>>)
        tpu.yield
      }) : () -> ()
      %add3A_565 = arith.constant 16384 : i32
      %add3A_566 = arith.addi %mul3A_557, %add3A_565 : i32
      "tpu.region"() ({
        %run_scoped3A_628 = tpu.sem_alloc : memref<!tpu.dma_semaphore, #tpu.memory_space<semaphore_mem>>
        %dma_start3A = tpu.memref_slice %arg7[%add3A_566] : memref<1000448xf32, #tpu.memory_space<vmem_shared>> -> memref<4096xf32, #tpu.memory_space<vmem_shared>>
        %dma_start3A_629 = tpu.memref_slice %arg7[%add3A_566] : memref<1000448xf32, #tpu.memory_space<vmem_shared>> -> memref<4096xf32, #tpu.memory_space<vmem_shared>>
        tpu.enqueue_dma source(%arg4 : memref<4096xf32, #tpu.memory_space<vmem>>) target(%dma_start3A_629 : memref<4096xf32, #tpu.memory_space<vmem_shared>>) target_semaphore(%run_scoped3A_628 : memref<!tpu.dma_semaphore, #tpu.memory_space<semaphore_mem>>)
        %dma_wait3A = tpu.memref_slice %arg7[%add3A_566] : memref<1000448xf32, #tpu.memory_space<vmem_shared>> -> memref<4096xf32, #tpu.memory_space<vmem_shared>>
        %dma_wait3A_630 = tpu.memref_slice %arg7[%add3A_566] : memref<1000448xf32, #tpu.memory_space<vmem_shared>> -> memref<4096xf32, #tpu.memory_space<vmem_shared>>
        tpu.wait_dma2 semaphore(%run_scoped3A_628 : memref<!tpu.dma_semaphore, #tpu.memory_space<semaphore_mem>>) src(%arg4 : memref<4096xf32, #tpu.memory_space<vmem>>) dst(%dma_wait3A_630 : memref<4096xf32, #tpu.memory_space<vmem_shared>>)
        tpu.yield
      }) : () -> ()
      %add3A_567 = arith.constant 20480 : i32
      %add3A_568 = arith.addi %mul3A_557, %add3A_567 : i32
      "tpu.region"() ({
        %run_scoped3A_628 = tpu.sem_alloc : memref<!tpu.dma_semaphore, #tpu.memory_space<semaphore_mem>>
        %dma_start3A = tpu.memref_slice %arg7[%add3A_568] : memref<1000448xf32, #tpu.memory_space<vmem_shared>> -> memref<4096xf32, #tpu.memory_space<vmem_shared>>
        %dma_start3A_629 = tpu.memref_slice %arg7[%add3A_568] : memref<1000448xf32, #tpu.memory_space<vmem_shared>> -> memref<4096xf32, #tpu.memory_space<vmem_shared>>
        tpu.enqueue_dma source(%arg4 : memref<4096xf32, #tpu.memory_space<vmem>>) target(%dma_start3A_629 : memref<4096xf32, #tpu.memory_space<vmem_shared>>) target_semaphore(%run_scoped3A_628 : memref<!tpu.dma_semaphore, #tpu.memory_space<semaphore_mem>>)
        %dma_wait3A = tpu.memref_slice %arg7[%add3A_568] : memref<1000448xf32, #tpu.memory_space<vmem_shared>> -> memref<4096xf32, #tpu.memory_space<vmem_shared>>
        %dma_wait3A_630 = tpu.memref_slice %arg7[%add3A_568] : memref<1000448xf32, #tpu.memory_space<vmem_shared>> -> memref<4096xf32, #tpu.memory_space<vmem_shared>>
        tpu.wait_dma2 semaphore(%run_scoped3A_628 : memref<!tpu.dma_semaphore, #tpu.memory_space<semaphore_mem>>) src(%arg4 : memref<4096xf32, #tpu.memory_space<vmem>>) dst(%dma_wait3A_630 : memref<4096xf32, #tpu.memory_space<vmem_shared>>)
        tpu.yield
      }) : () -> ()
      %add3A_569 = arith.constant 24576 : i32
      %add3A_570 = arith.addi %mul3A_557, %add3A_569 : i32
      "tpu.region"() ({
        %run_scoped3A_628 = tpu.sem_alloc : memref<!tpu.dma_semaphore, #tpu.memory_space<semaphore_mem>>
        %dma_start3A = tpu.memref_slice %arg7[%add3A_570] : memref<1000448xf32, #tpu.memory_space<vmem_shared>> -> memref<4096xf32, #tpu.memory_space<vmem_shared>>
        %dma_start3A_629 = tpu.memref_slice %arg7[%add3A_570] : memref<1000448xf32, #tpu.memory_space<vmem_shared>> -> memref<4096xf32, #tpu.memory_space<vmem_shared>>
        tpu.enqueue_dma source(%arg4 : memref<4096xf32, #tpu.memory_space<vmem>>) target(%dma_start3A_629 : memref<4096xf32, #tpu.memory_space<vmem_shared>>) target_semaphore(%run_scoped3A_628 : memref<!tpu.dma_semaphore, #tpu.memory_space<semaphore_mem>>)
        %dma_wait3A = tpu.memref_slice %arg7[%add3A_570] : memref<1000448xf32, #tpu.memory_space<vmem_shared>> -> memref<4096xf32, #tpu.memory_space<vmem_shared>>
        %dma_wait3A_630 = tpu.memref_slice %arg7[%add3A_570] : memref<1000448xf32, #tpu.memory_space<vmem_shared>> -> memref<4096xf32, #tpu.memory_space<vmem_shared>>
        tpu.wait_dma2 semaphore(%run_scoped3A_628 : memref<!tpu.dma_semaphore, #tpu.memory_space<semaphore_mem>>) src(%arg4 : memref<4096xf32, #tpu.memory_space<vmem>>) dst(%dma_wait3A_630 : memref<4096xf32, #tpu.memory_space<vmem_shared>>)
        tpu.yield
      }) : () -> ()
      %add3A_571 = arith.constant 28672 : i32
      %add3A_572 = arith.addi %mul3A_557, %add3A_571 : i32
      "tpu.region"() ({
        %run_scoped3A_628 = tpu.sem_alloc : memref<!tpu.dma_semaphore, #tpu.memory_space<semaphore_mem>>
        %dma_start3A = tpu.memref_slice %arg7[%add3A_572] : memref<1000448xf32, #tpu.memory_space<vmem_shared>> -> memref<4096xf32, #tpu.memory_space<vmem_shared>>
        %dma_start3A_629 = tpu.memref_slice %arg7[%add3A_572] : memref<1000448xf32, #tpu.memory_space<vmem_shared>> -> memref<4096xf32, #tpu.memory_space<vmem_shared>>
        tpu.enqueue_dma source(%arg4 : memref<4096xf32, #tpu.memory_space<vmem>>) target(%dma_start3A_629 : memref<4096xf32, #tpu.memory_space<vmem_shared>>) target_semaphore(%run_scoped3A_628 : memref<!tpu.dma_semaphore, #tpu.memory_space<semaphore_mem>>)
        %dma_wait3A = tpu.memref_slice %arg7[%add3A_572] : memref<1000448xf32, #tpu.memory_space<vmem_shared>> -> memref<4096xf32, #tpu.memory_space<vmem_shared>>
        %dma_wait3A_630 = tpu.memref_slice %arg7[%add3A_572] : memref<1000448xf32, #tpu.memory_space<vmem_shared>> -> memref<4096xf32, #tpu.memory_space<vmem_shared>>
        tpu.wait_dma2 semaphore(%run_scoped3A_628 : memref<!tpu.dma_semaphore, #tpu.memory_space<semaphore_mem>>) src(%arg4 : memref<4096xf32, #tpu.memory_space<vmem>>) dst(%dma_wait3A_630 : memref<4096xf32, #tpu.memory_space<vmem_shared>>)
        tpu.yield
      }) : () -> ()
      %add3A_573 = arith.constant 32768 : i32
      %add3A_574 = arith.addi %mul3A_557, %add3A_573 : i32
      "tpu.region"() ({
        %run_scoped3A_628 = tpu.sem_alloc : memref<!tpu.dma_semaphore, #tpu.memory_space<semaphore_mem>>
        %dma_start3A = tpu.memref_slice %arg7[%add3A_574] : memref<1000448xf32, #tpu.memory_space<vmem_shared>> -> memref<4096xf32, #tpu.memory_space<vmem_shared>>
        %dma_start3A_629 = tpu.memref_slice %arg7[%add3A_574] : memref<1000448xf32, #tpu.memory_space<vmem_shared>> -> memref<4096xf32, #tpu.memory_space<vmem_shared>>
        tpu.enqueue_dma source(%arg4 : memref<4096xf32, #tpu.memory_space<vmem>>) target(%dma_start3A_629 : memref<4096xf32, #tpu.memory_space<vmem_shared>>) target_semaphore(%run_scoped3A_628 : memref<!tpu.dma_semaphore, #tpu.memory_space<semaphore_mem>>)
        %dma_wait3A = tpu.memref_slice %arg7[%add3A_574] : memref<1000448xf32, #tpu.memory_space<vmem_shared>> -> memref<4096xf32, #tpu.memory_space<vmem_shared>>
        %dma_wait3A_630 = tpu.memref_slice %arg7[%add3A_574] : memref<1000448xf32, #tpu.memory_space<vmem_shared>> -> memref<4096xf32, #tpu.memory_space<vmem_shared>>
        tpu.wait_dma2 semaphore(%run_scoped3A_628 : memref<!tpu.dma_semaphore, #tpu.memory_space<semaphore_mem>>) src(%arg4 : memref<4096xf32, #tpu.memory_space<vmem>>) dst(%dma_wait3A_630 : memref<4096xf32, #tpu.memory_space<vmem_shared>>)
        tpu.yield
      }) : () -> ()
      %add3A_575 = arith.constant 36864 : i32
      %add3A_576 = arith.addi %mul3A_557, %add3A_575 : i32
      "tpu.region"() ({
        %run_scoped3A_628 = tpu.sem_alloc : memref<!tpu.dma_semaphore, #tpu.memory_space<semaphore_mem>>
        %dma_start3A = tpu.memref_slice %arg7[%add3A_576] : memref<1000448xf32, #tpu.memory_space<vmem_shared>> -> memref<4096xf32, #tpu.memory_space<vmem_shared>>
        %dma_start3A_629 = tpu.memref_slice %arg7[%add3A_576] : memref<1000448xf32, #tpu.memory_space<vmem_shared>> -> memref<4096xf32, #tpu.memory_space<vmem_shared>>
        tpu.enqueue_dma source(%arg4 : memref<4096xf32, #tpu.memory_space<vmem>>) target(%dma_start3A_629 : memref<4096xf32, #tpu.memory_space<vmem_shared>>) target_semaphore(%run_scoped3A_628 : memref<!tpu.dma_semaphore, #tpu.memory_space<semaphore_mem>>)
        %dma_wait3A = tpu.memref_slice %arg7[%add3A_576] : memref<1000448xf32, #tpu.memory_space<vmem_shared>> -> memref<4096xf32, #tpu.memory_space<vmem_shared>>
        %dma_wait3A_630 = tpu.memref_slice %arg7[%add3A_576] : memref<1000448xf32, #tpu.memory_space<vmem_shared>> -> memref<4096xf32, #tpu.memory_space<vmem_shared>>
        tpu.wait_dma2 semaphore(%run_scoped3A_628 : memref<!tpu.dma_semaphore, #tpu.memory_space<semaphore_mem>>) src(%arg4 : memref<4096xf32, #tpu.memory_space<vmem>>) dst(%dma_wait3A_630 : memref<4096xf32, #tpu.memory_space<vmem_shared>>)
        tpu.yield
      }) : () -> ()
      %add3A_577 = arith.constant 40960 : i32
      %add3A_578 = arith.addi %mul3A_557, %add3A_577 : i32
      "tpu.region"() ({
        %run_scoped3A_628 = tpu.sem_alloc : memref<!tpu.dma_semaphore, #tpu.memory_space<semaphore_mem>>
        %dma_start3A = tpu.memref_slice %arg7[%add3A_578] : memref<1000448xf32, #tpu.memory_space<vmem_shared>> -> memref<4096xf32, #tpu.memory_space<vmem_shared>>
        %dma_start3A_629 = tpu.memref_slice %arg7[%add3A_578] : memref<1000448xf32, #tpu.memory_space<vmem_shared>> -> memref<4096xf32, #tpu.memory_space<vmem_shared>>
        tpu.enqueue_dma source(%arg4 : memref<4096xf32, #tpu.memory_space<vmem>>) target(%dma_start3A_629 : memref<4096xf32, #tpu.memory_space<vmem_shared>>) target_semaphore(%run_scoped3A_628 : memref<!tpu.dma_semaphore, #tpu.memory_space<semaphore_mem>>)
        %dma_wait3A = tpu.memref_slice %arg7[%add3A_578] : memref<1000448xf32, #tpu.memory_space<vmem_shared>> -> memref<4096xf32, #tpu.memory_space<vmem_shared>>
        %dma_wait3A_630 = tpu.memref_slice %arg7[%add3A_578] : memref<1000448xf32, #tpu.memory_space<vmem_shared>> -> memref<4096xf32, #tpu.memory_space<vmem_shared>>
        tpu.wait_dma2 semaphore(%run_scoped3A_628 : memref<!tpu.dma_semaphore, #tpu.memory_space<semaphore_mem>>) src(%arg4 : memref<4096xf32, #tpu.memory_space<vmem>>) dst(%dma_wait3A_630 : memref<4096xf32, #tpu.memory_space<vmem_shared>>)
        tpu.yield
      }) : () -> ()
      %add3A_579 = arith.constant 45056 : i32
      %add3A_580 = arith.addi %mul3A_557, %add3A_579 : i32
      "tpu.region"() ({
        %run_scoped3A_628 = tpu.sem_alloc : memref<!tpu.dma_semaphore, #tpu.memory_space<semaphore_mem>>
        %dma_start3A = tpu.memref_slice %arg7[%add3A_580] : memref<1000448xf32, #tpu.memory_space<vmem_shared>> -> memref<4096xf32, #tpu.memory_space<vmem_shared>>
        %dma_start3A_629 = tpu.memref_slice %arg7[%add3A_580] : memref<1000448xf32, #tpu.memory_space<vmem_shared>> -> memref<4096xf32, #tpu.memory_space<vmem_shared>>
        tpu.enqueue_dma source(%arg4 : memref<4096xf32, #tpu.memory_space<vmem>>) target(%dma_start3A_629 : memref<4096xf32, #tpu.memory_space<vmem_shared>>) target_semaphore(%run_scoped3A_628 : memref<!tpu.dma_semaphore, #tpu.memory_space<semaphore_mem>>)
        %dma_wait3A = tpu.memref_slice %arg7[%add3A_580] : memref<1000448xf32, #tpu.memory_space<vmem_shared>> -> memref<4096xf32, #tpu.memory_space<vmem_shared>>
        %dma_wait3A_630 = tpu.memref_slice %arg7[%add3A_580] : memref<1000448xf32, #tpu.memory_space<vmem_shared>> -> memref<4096xf32, #tpu.memory_space<vmem_shared>>
        tpu.wait_dma2 semaphore(%run_scoped3A_628 : memref<!tpu.dma_semaphore, #tpu.memory_space<semaphore_mem>>) src(%arg4 : memref<4096xf32, #tpu.memory_space<vmem>>) dst(%dma_wait3A_630 : memref<4096xf32, #tpu.memory_space<vmem_shared>>)
        tpu.yield
      }) : () -> ()
      %add3A_581 = arith.constant 49152 : i32
      %add3A_582 = arith.addi %mul3A_557, %add3A_581 : i32
      "tpu.region"() ({
        %run_scoped3A_628 = tpu.sem_alloc : memref<!tpu.dma_semaphore, #tpu.memory_space<semaphore_mem>>
        %dma_start3A = tpu.memref_slice %arg7[%add3A_582] : memref<1000448xf32, #tpu.memory_space<vmem_shared>> -> memref<4096xf32, #tpu.memory_space<vmem_shared>>
        %dma_start3A_629 = tpu.memref_slice %arg7[%add3A_582] : memref<1000448xf32, #tpu.memory_space<vmem_shared>> -> memref<4096xf32, #tpu.memory_space<vmem_shared>>
        tpu.enqueue_dma source(%arg4 : memref<4096xf32, #tpu.memory_space<vmem>>) target(%dma_start3A_629 : memref<4096xf32, #tpu.memory_space<vmem_shared>>) target_semaphore(%run_scoped3A_628 : memref<!tpu.dma_semaphore, #tpu.memory_space<semaphore_mem>>)
        %dma_wait3A = tpu.memref_slice %arg7[%add3A_582] : memref<1000448xf32, #tpu.memory_space<vmem_shared>> -> memref<4096xf32, #tpu.memory_space<vmem_shared>>
        %dma_wait3A_630 = tpu.memref_slice %arg7[%add3A_582] : memref<1000448xf32, #tpu.memory_space<vmem_shared>> -> memref<4096xf32, #tpu.memory_space<vmem_shared>>
        tpu.wait_dma2 semaphore(%run_scoped3A_628 : memref<!tpu.dma_semaphore, #tpu.memory_space<semaphore_mem>>) src(%arg4 : memref<4096xf32, #tpu.memory_space<vmem>>) dst(%dma_wait3A_630 : memref<4096xf32, #tpu.memory_space<vmem_shared>>)
        tpu.yield
      }) : () -> ()
      %add3A_583 = arith.constant 53248 : i32
      %add3A_584 = arith.addi %mul3A_557, %add3A_583 : i32
      "tpu.region"() ({
        %run_scoped3A_628 = tpu.sem_alloc : memref<!tpu.dma_semaphore, #tpu.memory_space<semaphore_mem>>
        %dma_start3A = tpu.memref_slice %arg7[%add3A_584] : memref<1000448xf32, #tpu.memory_space<vmem_shared>> -> memref<4096xf32, #tpu.memory_space<vmem_shared>>
        %dma_start3A_629 = tpu.memref_slice %arg7[%add3A_584] : memref<1000448xf32, #tpu.memory_space<vmem_shared>> -> memref<4096xf32, #tpu.memory_space<vmem_shared>>
        tpu.enqueue_dma source(%arg4 : memref<4096xf32, #tpu.memory_space<vmem>>) target(%dma_start3A_629 : memref<4096xf32, #tpu.memory_space<vmem_shared>>) target_semaphore(%run_scoped3A_628 : memref<!tpu.dma_semaphore, #tpu.memory_space<semaphore_mem>>)
        %dma_wait3A = tpu.memref_slice %arg7[%add3A_584] : memref<1000448xf32, #tpu.memory_space<vmem_shared>> -> memref<4096xf32, #tpu.memory_space<vmem_shared>>
        %dma_wait3A_630 = tpu.memref_slice %arg7[%add3A_584] : memref<1000448xf32, #tpu.memory_space<vmem_shared>> -> memref<4096xf32, #tpu.memory_space<vmem_shared>>
        tpu.wait_dma2 semaphore(%run_scoped3A_628 : memref<!tpu.dma_semaphore, #tpu.memory_space<semaphore_mem>>) src(%arg4 : memref<4096xf32, #tpu.memory_space<vmem>>) dst(%dma_wait3A_630 : memref<4096xf32, #tpu.memory_space<vmem_shared>>)
        tpu.yield
      }) : () -> ()
      %add3A_585 = arith.constant 57344 : i32
      %add3A_586 = arith.addi %mul3A_557, %add3A_585 : i32
      "tpu.region"() ({
        %run_scoped3A_628 = tpu.sem_alloc : memref<!tpu.dma_semaphore, #tpu.memory_space<semaphore_mem>>
        %dma_start3A = tpu.memref_slice %arg7[%add3A_586] : memref<1000448xf32, #tpu.memory_space<vmem_shared>> -> memref<4096xf32, #tpu.memory_space<vmem_shared>>
        %dma_start3A_629 = tpu.memref_slice %arg7[%add3A_586] : memref<1000448xf32, #tpu.memory_space<vmem_shared>> -> memref<4096xf32, #tpu.memory_space<vmem_shared>>
        tpu.enqueue_dma source(%arg4 : memref<4096xf32, #tpu.memory_space<vmem>>) target(%dma_start3A_629 : memref<4096xf32, #tpu.memory_space<vmem_shared>>) target_semaphore(%run_scoped3A_628 : memref<!tpu.dma_semaphore, #tpu.memory_space<semaphore_mem>>)
        %dma_wait3A = tpu.memref_slice %arg7[%add3A_586] : memref<1000448xf32, #tpu.memory_space<vmem_shared>> -> memref<4096xf32, #tpu.memory_space<vmem_shared>>
        %dma_wait3A_630 = tpu.memref_slice %arg7[%add3A_586] : memref<1000448xf32, #tpu.memory_space<vmem_shared>> -> memref<4096xf32, #tpu.memory_space<vmem_shared>>
        tpu.wait_dma2 semaphore(%run_scoped3A_628 : memref<!tpu.dma_semaphore, #tpu.memory_space<semaphore_mem>>) src(%arg4 : memref<4096xf32, #tpu.memory_space<vmem>>) dst(%dma_wait3A_630 : memref<4096xf32, #tpu.memory_space<vmem_shared>>)
        tpu.yield
      }) : () -> ()
      %add3A_587 = arith.constant 61440 : i32
      %add3A_588 = arith.addi %mul3A_557, %add3A_587 : i32
      "tpu.region"() ({
        %run_scoped3A_628 = tpu.sem_alloc : memref<!tpu.dma_semaphore, #tpu.memory_space<semaphore_mem>>
        %dma_start3A = arith.constant 0 : i32
        %dma_start3A_629 = tpu.memref_slice %arg4[%dma_start3A] : memref<4096xf32, #tpu.memory_space<vmem>> -> memref<1088xf32, #tpu.memory_space<vmem>>
        %dma_start3A_630 = tpu.memref_slice %arg7[%add3A_588] : memref<1000448xf32, #tpu.memory_space<vmem_shared>> -> memref<1088xf32, #tpu.memory_space<vmem_shared>>
        %dma_start3A_631 = tpu.memref_slice %arg7[%add3A_588] : memref<1000448xf32, #tpu.memory_space<vmem_shared>> -> memref<1088xf32, #tpu.memory_space<vmem_shared>>
        %dma_start3A_632 = arith.constant 0 : i32
        %dma_start3A_633 = tpu.memref_slice %arg4[%dma_start3A_632] : memref<4096xf32, #tpu.memory_space<vmem>> -> memref<1088xf32, #tpu.memory_space<vmem>>
        tpu.enqueue_dma source(%dma_start3A_633 : memref<1088xf32, #tpu.memory_space<vmem>>) target(%dma_start3A_631 : memref<1088xf32, #tpu.memory_space<vmem_shared>>) target_semaphore(%run_scoped3A_628 : memref<!tpu.dma_semaphore, #tpu.memory_space<semaphore_mem>>)
        %dma_wait3A = arith.constant 0 : i32
        %dma_wait3A_634 = tpu.memref_slice %arg4[%dma_wait3A] : memref<4096xf32, #tpu.memory_space<vmem>> -> memref<1088xf32, #tpu.memory_space<vmem>>
        %dma_wait3A_635 = tpu.memref_slice %arg7[%add3A_588] : memref<1000448xf32, #tpu.memory_space<vmem_shared>> -> memref<1088xf32, #tpu.memory_space<vmem_shared>>
        %dma_wait3A_636 = tpu.memref_slice %arg7[%add3A_588] : memref<1000448xf32, #tpu.memory_space<vmem_shared>> -> memref<1088xf32, #tpu.memory_space<vmem_shared>>
        %dma_wait3A_637 = arith.constant 0 : i32
        %dma_wait3A_638 = tpu.memref_slice %arg4[%dma_wait3A_637] : memref<4096xf32, #tpu.memory_space<vmem>> -> memref<1088xf32, #tpu.memory_space<vmem>>
        tpu.wait_dma2 semaphore(%run_scoped3A_628 : memref<!tpu.dma_semaphore, #tpu.memory_space<semaphore_mem>>) src(%dma_wait3A_638 : memref<1088xf32, #tpu.memory_space<vmem>>) dst(%dma_wait3A_636 : memref<1088xf32, #tpu.memory_space<vmem_shared>>)
        tpu.yield
      }) : () -> ()
      %mul3A_589 = arith.constant 1024 : i32
      %mul3A_590 = arith.muli %arg1, %mul3A_589 : i32
      %add3A_591 = arith.constant 0 : i32
      %add3A_592 = arith.addi %mul3A_590, %add3A_591 : i32
      %run_scoped3A = arith.constant 0 : i32
      "tpu.region"() ({
        %run_scoped3A_628 = tpu.sem_alloc : memref<!tpu.dma_semaphore, #tpu.memory_space<semaphore_mem>>
        %dma_start3A = arith.constant 0 : i32
        %dma_start3A_629 = tpu.memref_slice %arg6[%run_scoped3A, %dma_start3A] : memref<8x128xi32, #tpu.memory_space<vmem>> -> memref<1x128xi32, #tpu.memory_space<vmem>>
        %dma_start3A_630 = tpu.memref_squeeze %dma_start3A_629 : memref<1x128xi32, #tpu.memory_space<vmem>> -> memref<128xi32, #tpu.memory_space<vmem>>
        %dma_start3A_631 = tpu.memref_slice %arg2[%add3A_592] : memref<16384xi32, #tpu.memory_space<hbm>> -> memref<128xi32, #tpu.memory_space<hbm>>
        %dma_start3A_632 = arith.constant 0 : i32
        %dma_start3A_633 = tpu.memref_slice %arg6[%run_scoped3A, %dma_start3A_632] : memref<8x128xi32, #tpu.memory_space<vmem>> -> memref<1x128xi32, #tpu.memory_space<vmem>>
        %dma_start3A_634 = tpu.memref_squeeze %dma_start3A_633 : memref<1x128xi32, #tpu.memory_space<vmem>> -> memref<128xi32, #tpu.memory_space<vmem>>
        %dma_start3A_635 = tpu.memref_slice %arg2[%add3A_592] : memref<16384xi32, #tpu.memory_space<hbm>> -> memref<128xi32, #tpu.memory_space<hbm>>
        tpu.enqueue_dma source(%dma_start3A_635 : memref<128xi32, #tpu.memory_space<hbm>>) target(%dma_start3A_634 : memref<128xi32, #tpu.memory_space<vmem>>) target_semaphore(%run_scoped3A_628 : memref<!tpu.dma_semaphore, #tpu.memory_space<semaphore_mem>>)
        %dma_wait3A = arith.constant 0 : i32
        %dma_wait3A_636 = tpu.memref_slice %arg6[%run_scoped3A, %dma_wait3A] : memref<8x128xi32, #tpu.memory_space<vmem>> -> memref<1x128xi32, #tpu.memory_space<vmem>>
        %dma_wait3A_637 = tpu.memref_squeeze %dma_wait3A_636 : memref<1x128xi32, #tpu.memory_space<vmem>> -> memref<128xi32, #tpu.memory_space<vmem>>
        %dma_wait3A_638 = tpu.memref_slice %arg2[%add3A_592] : memref<16384xi32, #tpu.memory_space<hbm>> -> memref<128xi32, #tpu.memory_space<hbm>>
        %dma_wait3A_639 = arith.constant 0 : i32
        %dma_wait3A_640 = tpu.memref_slice %arg6[%run_scoped3A, %dma_wait3A_639] : memref<8x128xi32, #tpu.memory_space<vmem>> -> memref<1x128xi32, #tpu.memory_space<vmem>>
        %dma_wait3A_641 = tpu.memref_squeeze %dma_wait3A_640 : memref<1x128xi32, #tpu.memory_space<vmem>> -> memref<128xi32, #tpu.memory_space<vmem>>
        %dma_wait3A_642 = tpu.memref_slice %arg2[%add3A_592] : memref<16384xi32, #tpu.memory_space<hbm>> -> memref<128xi32, #tpu.memory_space<hbm>>
        tpu.wait_dma2 semaphore(%run_scoped3A_628 : memref<!tpu.dma_semaphore, #tpu.memory_space<semaphore_mem>>) src(%dma_wait3A_642 : memref<128xi32, #tpu.memory_space<hbm>>) dst(%dma_wait3A_641 : memref<128xi32, #tpu.memory_space<vmem>>)
        tpu.yield
      }) : () -> ()
      %mul3A_593 = arith.constant 1024 : i32
      %mul3A_594 = arith.muli %arg1, %mul3A_593 : i32
      %add3A_595 = arith.constant 128 : i32
      %add3A_596 = arith.addi %mul3A_594, %add3A_595 : i32
      %run_scoped3A_597 = arith.constant 1 : i32
      "tpu.region"() ({
        %run_scoped3A_628 = tpu.sem_alloc : memref<!tpu.dma_semaphore, #tpu.memory_space<semaphore_mem>>
        %dma_start3A = arith.constant 0 : i32
        %dma_start3A_629 = tpu.memref_slice %arg6[%run_scoped3A_597, %dma_start3A] : memref<8x128xi32, #tpu.memory_space<vmem>> -> memref<1x128xi32, #tpu.memory_space<vmem>>
        %dma_start3A_630 = tpu.memref_squeeze %dma_start3A_629 : memref<1x128xi32, #tpu.memory_space<vmem>> -> memref<128xi32, #tpu.memory_space<vmem>>
        %dma_start3A_631 = tpu.memref_slice %arg2[%add3A_596] : memref<16384xi32, #tpu.memory_space<hbm>> -> memref<128xi32, #tpu.memory_space<hbm>>
        %dma_start3A_632 = arith.constant 0 : i32
        %dma_start3A_633 = tpu.memref_slice %arg6[%run_scoped3A_597, %dma_start3A_632] : memref<8x128xi32, #tpu.memory_space<vmem>> -> memref<1x128xi32, #tpu.memory_space<vmem>>
        %dma_start3A_634 = tpu.memref_squeeze %dma_start3A_633 : memref<1x128xi32, #tpu.memory_space<vmem>> -> memref<128xi32, #tpu.memory_space<vmem>>
        %dma_start3A_635 = tpu.memref_slice %arg2[%add3A_596] : memref<16384xi32, #tpu.memory_space<hbm>> -> memref<128xi32, #tpu.memory_space<hbm>>
        tpu.enqueue_dma source(%dma_start3A_635 : memref<128xi32, #tpu.memory_space<hbm>>) target(%dma_start3A_634 : memref<128xi32, #tpu.memory_space<vmem>>) target_semaphore(%run_scoped3A_628 : memref<!tpu.dma_semaphore, #tpu.memory_space<semaphore_mem>>)
        %dma_wait3A = arith.constant 0 : i32
        %dma_wait3A_636 = tpu.memref_slice %arg6[%run_scoped3A_597, %dma_wait3A] : memref<8x128xi32, #tpu.memory_space<vmem>> -> memref<1x128xi32, #tpu.memory_space<vmem>>
        %dma_wait3A_637 = tpu.memref_squeeze %dma_wait3A_636 : memref<1x128xi32, #tpu.memory_space<vmem>> -> memref<128xi32, #tpu.memory_space<vmem>>
        %dma_wait3A_638 = tpu.memref_slice %arg2[%add3A_596] : memref<16384xi32, #tpu.memory_space<hbm>> -> memref<128xi32, #tpu.memory_space<hbm>>
        %dma_wait3A_639 = arith.constant 0 : i32
        %dma_wait3A_640 = tpu.memref_slice %arg6[%run_scoped3A_597, %dma_wait3A_639] : memref<8x128xi32, #tpu.memory_space<vmem>> -> memref<1x128xi32, #tpu.memory_space<vmem>>
        %dma_wait3A_641 = tpu.memref_squeeze %dma_wait3A_640 : memref<1x128xi32, #tpu.memory_space<vmem>> -> memref<128xi32, #tpu.memory_space<vmem>>
        %dma_wait3A_642 = tpu.memref_slice %arg2[%add3A_596] : memref<16384xi32, #tpu.memory_space<hbm>> -> memref<128xi32, #tpu.memory_space<hbm>>
        tpu.wait_dma2 semaphore(%run_scoped3A_628 : memref<!tpu.dma_semaphore, #tpu.memory_space<semaphore_mem>>) src(%dma_wait3A_642 : memref<128xi32, #tpu.memory_space<hbm>>) dst(%dma_wait3A_641 : memref<128xi32, #tpu.memory_space<vmem>>)
        tpu.yield
      }) : () -> ()
      %mul3A_598 = arith.constant 1024 : i32
      %mul3A_599 = arith.muli %arg1, %mul3A_598 : i32
      %add3A_600 = arith.constant 256 : i32
      %add3A_601 = arith.addi %mul3A_599, %add3A_600 : i32
      %run_scoped3A_602 = arith.constant 2 : i32
      "tpu.region"() ({
        %run_scoped3A_628 = tpu.sem_alloc : memref<!tpu.dma_semaphore, #tpu.memory_space<semaphore_mem>>
        %dma_start3A = arith.constant 0 : i32
        %dma_start3A_629 = tpu.memref_slice %arg6[%run_scoped3A_602, %dma_start3A] : memref<8x128xi32, #tpu.memory_space<vmem>> -> memref<1x128xi32, #tpu.memory_space<vmem>>
        %dma_start3A_630 = tpu.memref_squeeze %dma_start3A_629 : memref<1x128xi32, #tpu.memory_space<vmem>> -> memref<128xi32, #tpu.memory_space<vmem>>
        %dma_start3A_631 = tpu.memref_slice %arg2[%add3A_601] : memref<16384xi32, #tpu.memory_space<hbm>> -> memref<128xi32, #tpu.memory_space<hbm>>
        %dma_start3A_632 = arith.constant 0 : i32
        %dma_start3A_633 = tpu.memref_slice %arg6[%run_scoped3A_602, %dma_start3A_632] : memref<8x128xi32, #tpu.memory_space<vmem>> -> memref<1x128xi32, #tpu.memory_space<vmem>>
        %dma_start3A_634 = tpu.memref_squeeze %dma_start3A_633 : memref<1x128xi32, #tpu.memory_space<vmem>> -> memref<128xi32, #tpu.memory_space<vmem>>
        %dma_start3A_635 = tpu.memref_slice %arg2[%add3A_601] : memref<16384xi32, #tpu.memory_space<hbm>> -> memref<128xi32, #tpu.memory_space<hbm>>
        tpu.enqueue_dma source(%dma_start3A_635 : memref<128xi32, #tpu.memory_space<hbm>>) target(%dma_start3A_634 : memref<128xi32, #tpu.memory_space<vmem>>) target_semaphore(%run_scoped3A_628 : memref<!tpu.dma_semaphore, #tpu.memory_space<semaphore_mem>>)
        %dma_wait3A = arith.constant 0 : i32
        %dma_wait3A_636 = tpu.memref_slice %arg6[%run_scoped3A_602, %dma_wait3A] : memref<8x128xi32, #tpu.memory_space<vmem>> -> memref<1x128xi32, #tpu.memory_space<vmem>>
        %dma_wait3A_637 = tpu.memref_squeeze %dma_wait3A_636 : memref<1x128xi32, #tpu.memory_space<vmem>> -> memref<128xi32, #tpu.memory_space<vmem>>
        %dma_wait3A_638 = tpu.memref_slice %arg2[%add3A_601] : memref<16384xi32, #tpu.memory_space<hbm>> -> memref<128xi32, #tpu.memory_space<hbm>>
        %dma_wait3A_639 = arith.constant 0 : i32
        %dma_wait3A_640 = tpu.memref_slice %arg6[%run_scoped3A_602, %dma_wait3A_639] : memref<8x128xi32, #tpu.memory_space<vmem>> -> memref<1x128xi32, #tpu.memory_space<vmem>>
        %dma_wait3A_641 = tpu.memref_squeeze %dma_wait3A_640 : memref<1x128xi32, #tpu.memory_space<vmem>> -> memref<128xi32, #tpu.memory_space<vmem>>
        %dma_wait3A_642 = tpu.memref_slice %arg2[%add3A_601] : memref<16384xi32, #tpu.memory_space<hbm>> -> memref<128xi32, #tpu.memory_space<hbm>>
        tpu.wait_dma2 semaphore(%run_scoped3A_628 : memref<!tpu.dma_semaphore, #tpu.memory_space<semaphore_mem>>) src(%dma_wait3A_642 : memref<128xi32, #tpu.memory_space<hbm>>) dst(%dma_wait3A_641 : memref<128xi32, #tpu.memory_space<vmem>>)
        tpu.yield
      }) : () -> ()
      %mul3A_603 = arith.constant 1024 : i32
      %mul3A_604 = arith.muli %arg1, %mul3A_603 : i32
      %add3A_605 = arith.constant 384 : i32
      %add3A_606 = arith.addi %mul3A_604, %add3A_605 : i32
      %run_scoped3A_607 = arith.constant 3 : i32
      "tpu.region"() ({
        %run_scoped3A_628 = tpu.sem_alloc : memref<!tpu.dma_semaphore, #tpu.memory_space<semaphore_mem>>
        %dma_start3A = arith.constant 0 : i32
        %dma_start3A_629 = tpu.memref_slice %arg6[%run_scoped3A_607, %dma_start3A] : memref<8x128xi32, #tpu.memory_space<vmem>> -> memref<1x128xi32, #tpu.memory_space<vmem>>
        %dma_start3A_630 = tpu.memref_squeeze %dma_start3A_629 : memref<1x128xi32, #tpu.memory_space<vmem>> -> memref<128xi32, #tpu.memory_space<vmem>>
        %dma_start3A_631 = tpu.memref_slice %arg2[%add3A_606] : memref<16384xi32, #tpu.memory_space<hbm>> -> memref<128xi32, #tpu.memory_space<hbm>>
        %dma_start3A_632 = arith.constant 0 : i32
        %dma_start3A_633 = tpu.memref_slice %arg6[%run_scoped3A_607, %dma_start3A_632] : memref<8x128xi32, #tpu.memory_space<vmem>> -> memref<1x128xi32, #tpu.memory_space<vmem>>
        %dma_start3A_634 = tpu.memref_squeeze %dma_start3A_633 : memref<1x128xi32, #tpu.memory_space<vmem>> -> memref<128xi32, #tpu.memory_space<vmem>>
        %dma_start3A_635 = tpu.memref_slice %arg2[%add3A_606] : memref<16384xi32, #tpu.memory_space<hbm>> -> memref<128xi32, #tpu.memory_space<hbm>>
        tpu.enqueue_dma source(%dma_start3A_635 : memref<128xi32, #tpu.memory_space<hbm>>) target(%dma_start3A_634 : memref<128xi32, #tpu.memory_space<vmem>>) target_semaphore(%run_scoped3A_628 : memref<!tpu.dma_semaphore, #tpu.memory_space<semaphore_mem>>)
        %dma_wait3A = arith.constant 0 : i32
        %dma_wait3A_636 = tpu.memref_slice %arg6[%run_scoped3A_607, %dma_wait3A] : memref<8x128xi32, #tpu.memory_space<vmem>> -> memref<1x128xi32, #tpu.memory_space<vmem>>
        %dma_wait3A_637 = tpu.memref_squeeze %dma_wait3A_636 : memref<1x128xi32, #tpu.memory_space<vmem>> -> memref<128xi32, #tpu.memory_space<vmem>>
        %dma_wait3A_638 = tpu.memref_slice %arg2[%add3A_606] : memref<16384xi32, #tpu.memory_space<hbm>> -> memref<128xi32, #tpu.memory_space<hbm>>
        %dma_wait3A_639 = arith.constant 0 : i32
        %dma_wait3A_640 = tpu.memref_slice %arg6[%run_scoped3A_607, %dma_wait3A_639] : memref<8x128xi32, #tpu.memory_space<vmem>> -> memref<1x128xi32, #tpu.memory_space<vmem>>
        %dma_wait3A_641 = tpu.memref_squeeze %dma_wait3A_640 : memref<1x128xi32, #tpu.memory_space<vmem>> -> memref<128xi32, #tpu.memory_space<vmem>>
        %dma_wait3A_642 = tpu.memref_slice %arg2[%add3A_606] : memref<16384xi32, #tpu.memory_space<hbm>> -> memref<128xi32, #tpu.memory_space<hbm>>
        tpu.wait_dma2 semaphore(%run_scoped3A_628 : memref<!tpu.dma_semaphore, #tpu.memory_space<semaphore_mem>>) src(%dma_wait3A_642 : memref<128xi32, #tpu.memory_space<hbm>>) dst(%dma_wait3A_641 : memref<128xi32, #tpu.memory_space<vmem>>)
        tpu.yield
      }) : () -> ()
      %mul3A_608 = arith.constant 1024 : i32
      %mul3A_609 = arith.muli %arg1, %mul3A_608 : i32
      %add3A_610 = arith.constant 512 : i32
      %add3A_611 = arith.addi %mul3A_609, %add3A_610 : i32
      %run_scoped3A_612 = arith.constant 4 : i32
      "tpu.region"() ({
        %run_scoped3A_628 = tpu.sem_alloc : memref<!tpu.dma_semaphore, #tpu.memory_space<semaphore_mem>>
        %dma_start3A = arith.constant 0 : i32
        %dma_start3A_629 = tpu.memref_slice %arg6[%run_scoped3A_612, %dma_start3A] : memref<8x128xi32, #tpu.memory_space<vmem>> -> memref<1x128xi32, #tpu.memory_space<vmem>>
        %dma_start3A_630 = tpu.memref_squeeze %dma_start3A_629 : memref<1x128xi32, #tpu.memory_space<vmem>> -> memref<128xi32, #tpu.memory_space<vmem>>
        %dma_start3A_631 = tpu.memref_slice %arg2[%add3A_611] : memref<16384xi32, #tpu.memory_space<hbm>> -> memref<128xi32, #tpu.memory_space<hbm>>
        %dma_start3A_632 = arith.constant 0 : i32
        %dma_start3A_633 = tpu.memref_slice %arg6[%run_scoped3A_612, %dma_start3A_632] : memref<8x128xi32, #tpu.memory_space<vmem>> -> memref<1x128xi32, #tpu.memory_space<vmem>>
        %dma_start3A_634 = tpu.memref_squeeze %dma_start3A_633 : memref<1x128xi32, #tpu.memory_space<vmem>> -> memref<128xi32, #tpu.memory_space<vmem>>
        %dma_start3A_635 = tpu.memref_slice %arg2[%add3A_611] : memref<16384xi32, #tpu.memory_space<hbm>> -> memref<128xi32, #tpu.memory_space<hbm>>
        tpu.enqueue_dma source(%dma_start3A_635 : memref<128xi32, #tpu.memory_space<hbm>>) target(%dma_start3A_634 : memref<128xi32, #tpu.memory_space<vmem>>) target_semaphore(%run_scoped3A_628 : memref<!tpu.dma_semaphore, #tpu.memory_space<semaphore_mem>>)
        %dma_wait3A = arith.constant 0 : i32
        %dma_wait3A_636 = tpu.memref_slice %arg6[%run_scoped3A_612, %dma_wait3A] : memref<8x128xi32, #tpu.memory_space<vmem>> -> memref<1x128xi32, #tpu.memory_space<vmem>>
        %dma_wait3A_637 = tpu.memref_squeeze %dma_wait3A_636 : memref<1x128xi32, #tpu.memory_space<vmem>> -> memref<128xi32, #tpu.memory_space<vmem>>
        %dma_wait3A_638 = tpu.memref_slice %arg2[%add3A_611] : memref<16384xi32, #tpu.memory_space<hbm>> -> memref<128xi32, #tpu.memory_space<hbm>>
        %dma_wait3A_639 = arith.constant 0 : i32
        %dma_wait3A_640 = tpu.memref_slice %arg6[%run_scoped3A_612, %dma_wait3A_639] : memref<8x128xi32, #tpu.memory_space<vmem>> -> memref<1x128xi32, #tpu.memory_space<vmem>>
        %dma_wait3A_641 = tpu.memref_squeeze %dma_wait3A_640 : memref<1x128xi32, #tpu.memory_space<vmem>> -> memref<128xi32, #tpu.memory_space<vmem>>
        %dma_wait3A_642 = tpu.memref_slice %arg2[%add3A_611] : memref<16384xi32, #tpu.memory_space<hbm>> -> memref<128xi32, #tpu.memory_space<hbm>>
        tpu.wait_dma2 semaphore(%run_scoped3A_628 : memref<!tpu.dma_semaphore, #tpu.memory_space<semaphore_mem>>) src(%dma_wait3A_642 : memref<128xi32, #tpu.memory_space<hbm>>) dst(%dma_wait3A_641 : memref<128xi32, #tpu.memory_space<vmem>>)
        tpu.yield
      }) : () -> ()
      %mul3A_613 = arith.constant 1024 : i32
      %mul3A_614 = arith.muli %arg1, %mul3A_613 : i32
      %add3A_615 = arith.constant 640 : i32
      %add3A_616 = arith.addi %mul3A_614, %add3A_615 : i32
      %run_scoped3A_617 = arith.constant 5 : i32
      "tpu.region"() ({
        %run_scoped3A_628 = tpu.sem_alloc : memref<!tpu.dma_semaphore, #tpu.memory_space<semaphore_mem>>
        %dma_start3A = arith.constant 0 : i32
        %dma_start3A_629 = tpu.memref_slice %arg6[%run_scoped3A_617, %dma_start3A] : memref<8x128xi32, #tpu.memory_space<vmem>> -> memref<1x128xi32, #tpu.memory_space<vmem>>
        %dma_start3A_630 = tpu.memref_squeeze %dma_start3A_629 : memref<1x128xi32, #tpu.memory_space<vmem>> -> memref<128xi32, #tpu.memory_space<vmem>>
        %dma_start3A_631 = tpu.memref_slice %arg2[%add3A_616] : memref<16384xi32, #tpu.memory_space<hbm>> -> memref<128xi32, #tpu.memory_space<hbm>>
        %dma_start3A_632 = arith.constant 0 : i32
        %dma_start3A_633 = tpu.memref_slice %arg6[%run_scoped3A_617, %dma_start3A_632] : memref<8x128xi32, #tpu.memory_space<vmem>> -> memref<1x128xi32, #tpu.memory_space<vmem>>
        %dma_start3A_634 = tpu.memref_squeeze %dma_start3A_633 : memref<1x128xi32, #tpu.memory_space<vmem>> -> memref<128xi32, #tpu.memory_space<vmem>>
        %dma_start3A_635 = tpu.memref_slice %arg2[%add3A_616] : memref<16384xi32, #tpu.memory_space<hbm>> -> memref<128xi32, #tpu.memory_space<hbm>>
        tpu.enqueue_dma source(%dma_start3A_635 : memref<128xi32, #tpu.memory_space<hbm>>) target(%dma_start3A_634 : memref<128xi32, #tpu.memory_space<vmem>>) target_semaphore(%run_scoped3A_628 : memref<!tpu.dma_semaphore, #tpu.memory_space<semaphore_mem>>)
        %dma_wait3A = arith.constant 0 : i32
        %dma_wait3A_636 = tpu.memref_slice %arg6[%run_scoped3A_617, %dma_wait3A] : memref<8x128xi32, #tpu.memory_space<vmem>> -> memref<1x128xi32, #tpu.memory_space<vmem>>
        %dma_wait3A_637 = tpu.memref_squeeze %dma_wait3A_636 : memref<1x128xi32, #tpu.memory_space<vmem>> -> memref<128xi32, #tpu.memory_space<vmem>>
        %dma_wait3A_638 = tpu.memref_slice %arg2[%add3A_616] : memref<16384xi32, #tpu.memory_space<hbm>> -> memref<128xi32, #tpu.memory_space<hbm>>
        %dma_wait3A_639 = arith.constant 0 : i32
        %dma_wait3A_640 = tpu.memref_slice %arg6[%run_scoped3A_617, %dma_wait3A_639] : memref<8x128xi32, #tpu.memory_space<vmem>> -> memref<1x128xi32, #tpu.memory_space<vmem>>
        %dma_wait3A_641 = tpu.memref_squeeze %dma_wait3A_640 : memref<1x128xi32, #tpu.memory_space<vmem>> -> memref<128xi32, #tpu.memory_space<vmem>>
        %dma_wait3A_642 = tpu.memref_slice %arg2[%add3A_616] : memref<16384xi32, #tpu.memory_space<hbm>> -> memref<128xi32, #tpu.memory_space<hbm>>
        tpu.wait_dma2 semaphore(%run_scoped3A_628 : memref<!tpu.dma_semaphore, #tpu.memory_space<semaphore_mem>>) src(%dma_wait3A_642 : memref<128xi32, #tpu.memory_space<hbm>>) dst(%dma_wait3A_641 : memref<128xi32, #tpu.memory_space<vmem>>)
        tpu.yield
      }) : () -> ()
      %mul3A_618 = arith.constant 1024 : i32
      %mul3A_619 = arith.muli %arg1, %mul3A_618 : i32
      %add3A_620 = arith.constant 768 : i32
      %add3A_621 = arith.addi %mul3A_619, %add3A_620 : i32
      %run_scoped3A_622 = arith.constant 6 : i32
      "tpu.region"() ({
        %run_scoped3A_628 = tpu.sem_alloc : memref<!tpu.dma_semaphore, #tpu.memory_space<semaphore_mem>>
        %dma_start3A = arith.constant 0 : i32
        %dma_start3A_629 = tpu.memref_slice %arg6[%run_scoped3A_622, %dma_start3A] : memref<8x128xi32, #tpu.memory_space<vmem>> -> memref<1x128xi32, #tpu.memory_space<vmem>>
        %dma_start3A_630 = tpu.memref_squeeze %dma_start3A_629 : memref<1x128xi32, #tpu.memory_space<vmem>> -> memref<128xi32, #tpu.memory_space<vmem>>
        %dma_start3A_631 = tpu.memref_slice %arg2[%add3A_621] : memref<16384xi32, #tpu.memory_space<hbm>> -> memref<128xi32, #tpu.memory_space<hbm>>
        %dma_start3A_632 = arith.constant 0 : i32
        %dma_start3A_633 = tpu.memref_slice %arg6[%run_scoped3A_622, %dma_start3A_632] : memref<8x128xi32, #tpu.memory_space<vmem>> -> memref<1x128xi32, #tpu.memory_space<vmem>>
        %dma_start3A_634 = tpu.memref_squeeze %dma_start3A_633 : memref<1x128xi32, #tpu.memory_space<vmem>> -> memref<128xi32, #tpu.memory_space<vmem>>
        %dma_start3A_635 = tpu.memref_slice %arg2[%add3A_621] : memref<16384xi32, #tpu.memory_space<hbm>> -> memref<128xi32, #tpu.memory_space<hbm>>
        tpu.enqueue_dma source(%dma_start3A_635 : memref<128xi32, #tpu.memory_space<hbm>>) target(%dma_start3A_634 : memref<128xi32, #tpu.memory_space<vmem>>) target_semaphore(%run_scoped3A_628 : memref<!tpu.dma_semaphore, #tpu.memory_space<semaphore_mem>>)
        %dma_wait3A = arith.constant 0 : i32
        %dma_wait3A_636 = tpu.memref_slice %arg6[%run_scoped3A_622, %dma_wait3A] : memref<8x128xi32, #tpu.memory_space<vmem>> -> memref<1x128xi32, #tpu.memory_space<vmem>>
        %dma_wait3A_637 = tpu.memref_squeeze %dma_wait3A_636 : memref<1x128xi32, #tpu.memory_space<vmem>> -> memref<128xi32, #tpu.memory_space<vmem>>
        %dma_wait3A_638 = tpu.memref_slice %arg2[%add3A_621] : memref<16384xi32, #tpu.memory_space<hbm>> -> memref<128xi32, #tpu.memory_space<hbm>>
        %dma_wait3A_639 = arith.constant 0 : i32
        %dma_wait3A_640 = tpu.memref_slice %arg6[%run_scoped3A_622, %dma_wait3A_639] : memref<8x128xi32, #tpu.memory_space<vmem>> -> memref<1x128xi32, #tpu.memory_space<vmem>>
        %dma_wait3A_641 = tpu.memref_squeeze %dma_wait3A_640 : memref<1x128xi32, #tpu.memory_space<vmem>> -> memref<128xi32, #tpu.memory_space<vmem>>
        %dma_wait3A_642 = tpu.memref_slice %arg2[%add3A_621] : memref<16384xi32, #tpu.memory_space<hbm>> -> memref<128xi32, #tpu.memory_space<hbm>>
        tpu.wait_dma2 semaphore(%run_scoped3A_628 : memref<!tpu.dma_semaphore, #tpu.memory_space<semaphore_mem>>) src(%dma_wait3A_642 : memref<128xi32, #tpu.memory_space<hbm>>) dst(%dma_wait3A_641 : memref<128xi32, #tpu.memory_space<vmem>>)
        tpu.yield
      }) : () -> ()
      %mul3A_623 = arith.constant 1024 : i32
      %mul3A_624 = arith.muli %arg1, %mul3A_623 : i32
      %add3A_625 = arith.constant 896 : i32
      %add3A_626 = arith.addi %mul3A_624, %add3A_625 : i32
      %run_scoped3A_627 = arith.constant 7 : i32
      "tpu.region"() ({
        %run_scoped3A_628 = tpu.sem_alloc : memref<!tpu.dma_semaphore, #tpu.memory_space<semaphore_mem>>
        %dma_start3A = arith.constant 0 : i32
        %dma_start3A_629 = tpu.memref_slice %arg6[%run_scoped3A_627, %dma_start3A] : memref<8x128xi32, #tpu.memory_space<vmem>> -> memref<1x128xi32, #tpu.memory_space<vmem>>
        %dma_start3A_630 = tpu.memref_squeeze %dma_start3A_629 : memref<1x128xi32, #tpu.memory_space<vmem>> -> memref<128xi32, #tpu.memory_space<vmem>>
        %dma_start3A_631 = tpu.memref_slice %arg2[%add3A_626] : memref<16384xi32, #tpu.memory_space<hbm>> -> memref<128xi32, #tpu.memory_space<hbm>>
        %dma_start3A_632 = arith.constant 0 : i32
        %dma_start3A_633 = tpu.memref_slice %arg6[%run_scoped3A_627, %dma_start3A_632] : memref<8x128xi32, #tpu.memory_space<vmem>> -> memref<1x128xi32, #tpu.memory_space<vmem>>
        %dma_start3A_634 = tpu.memref_squeeze %dma_start3A_633 : memref<1x128xi32, #tpu.memory_space<vmem>> -> memref<128xi32, #tpu.memory_space<vmem>>
        %dma_start3A_635 = tpu.memref_slice %arg2[%add3A_626] : memref<16384xi32, #tpu.memory_space<hbm>> -> memref<128xi32, #tpu.memory_space<hbm>>
        tpu.enqueue_dma source(%dma_start3A_635 : memref<128xi32, #tpu.memory_space<hbm>>) target(%dma_start3A_634 : memref<128xi32, #tpu.memory_space<vmem>>) target_semaphore(%run_scoped3A_628 : memref<!tpu.dma_semaphore, #tpu.memory_space<semaphore_mem>>)
        %dma_wait3A = arith.constant 0 : i32
        %dma_wait3A_636 = tpu.memref_slice %arg6[%run_scoped3A_627, %dma_wait3A] : memref<8x128xi32, #tpu.memory_space<vmem>> -> memref<1x128xi32, #tpu.memory_space<vmem>>
        %dma_wait3A_637 = tpu.memref_squeeze %dma_wait3A_636 : memref<1x128xi32, #tpu.memory_space<vmem>> -> memref<128xi32, #tpu.memory_space<vmem>>
        %dma_wait3A_638 = tpu.memref_slice %arg2[%add3A_626] : memref<16384xi32, #tpu.memory_space<hbm>> -> memref<128xi32, #tpu.memory_space<hbm>>
        %dma_wait3A_639 = arith.constant 0 : i32
        %dma_wait3A_640 = tpu.memref_slice %arg6[%run_scoped3A_627, %dma_wait3A_639] : memref<8x128xi32, #tpu.memory_space<vmem>> -> memref<1x128xi32, #tpu.memory_space<vmem>>
        %dma_wait3A_641 = tpu.memref_squeeze %dma_wait3A_640 : memref<1x128xi32, #tpu.memory_space<vmem>> -> memref<128xi32, #tpu.memory_space<vmem>>
        %dma_wait3A_642 = tpu.memref_slice %arg2[%add3A_626] : memref<16384xi32, #tpu.memory_space<hbm>> -> memref<128xi32, #tpu.memory_space<hbm>>
        tpu.wait_dma2 semaphore(%run_scoped3A_628 : memref<!tpu.dma_semaphore, #tpu.memory_space<semaphore_mem>>) src(%dma_wait3A_642 : memref<128xi32, #tpu.memory_space<hbm>>) dst(%dma_wait3A_641 : memref<128xi32, #tpu.memory_space<vmem>>)
        tpu.yield
      }) : () -> ()
    } else {
    }
    %barrier3A = arith.constant 0 : index
    tpu.barrier barrier_id(%barrier3A)
    %eq3A_2 = arith.constant 0 : i32
    %eq3A_3 = arith.cmpi eq, %arg0, %eq3A_2 : i32
    %convert_element_type3A_4 = arith.extui %eq3A_3 : i1 to i32
    %cond3A_5 = arith.constant 0 : i32
    %cond3A_6 = arith.cmpi ne, %convert_element_type3A_4, %cond3A_5 : i32
    scf.if %cond3A_6 {
      %run_scoped3A = arith.constant 0 : i32
      "tpu.region"() ({
        %run_scoped3A_20 = tpu.sem_alloc : memref<!tpu.dma_semaphore, #tpu.memory_space<semaphore_mem>>
        %dma_start3A = arith.constant 0 : i32
        %dma_start3A_21 = tpu.memref_slice %arg6[%run_scoped3A, %dma_start3A] : memref<8x128xi32, #tpu.memory_space<vmem>> -> memref<1x128xi32, #tpu.memory_space<vmem>>
        %dma_start3A_22 = tpu.memref_squeeze %dma_start3A_21 : memref<1x128xi32, #tpu.memory_space<vmem>> -> memref<128xi32, #tpu.memory_space<vmem>>
        %dma_start3A_23 = arith.constant 0 : i32
        %dma_start3A_24 = tpu.memref_slice %arg7[%dma_start3A_23] : memref<1000448xf32, #tpu.memory_space<vmem_shared>> -> memref<1000448xf32, #tpu.memory_space<vmem_shared>>
        tpu.enqueue_indirect_dma source(%arg5 : memref<128xf32, #tpu.memory_space<vmem>>) target(%dma_start3A_24 : memref<1000448xf32, #tpu.memory_space<vmem_shared>>) offsets(%dma_start3A_22 : memref<128xi32, #tpu.memory_space<vmem>>) semaphore(%run_scoped3A_20 : memref<!tpu.dma_semaphore, #tpu.memory_space<semaphore_mem>>) {add = true}
        %dma_wait3A = arith.constant 0 : i32
        %dma_wait3A_25 = tpu.memref_slice %arg6[%run_scoped3A, %dma_wait3A] : memref<8x128xi32, #tpu.memory_space<vmem>> -> memref<1x128xi32, #tpu.memory_space<vmem>>
        %dma_wait3A_26 = tpu.memref_squeeze %dma_wait3A_25 : memref<1x128xi32, #tpu.memory_space<vmem>> -> memref<128xi32, #tpu.memory_space<vmem>>
        %dma_wait3A_27 = arith.constant 0 : i32
        %dma_wait3A_28 = tpu.memref_slice %arg7[%dma_wait3A_27] : memref<1000448xf32, #tpu.memory_space<vmem_shared>> -> memref<1000448xf32, #tpu.memory_space<vmem_shared>>
        tpu.wait_indirect_dma semaphore(%run_scoped3A_20 : memref<!tpu.dma_semaphore, #tpu.memory_space<semaphore_mem>>) src(%arg5 : memref<128xf32, #tpu.memory_space<vmem>>) dst(%dma_wait3A_28 : memref<1000448xf32, #tpu.memory_space<vmem_shared>>)
        tpu.yield
      }) : () -> ()
      %run_scoped3A_13 = arith.constant 1 : i32
      "tpu.region"() ({
        %run_scoped3A_20 = tpu.sem_alloc : memref<!tpu.dma_semaphore, #tpu.memory_space<semaphore_mem>>
        %dma_start3A = arith.constant 0 : i32
        %dma_start3A_21 = tpu.memref_slice %arg6[%run_scoped3A_13, %dma_start3A] : memref<8x128xi32, #tpu.memory_space<vmem>> -> memref<1x128xi32, #tpu.memory_space<vmem>>
        %dma_start3A_22 = tpu.memref_squeeze %dma_start3A_21 : memref<1x128xi32, #tpu.memory_space<vmem>> -> memref<128xi32, #tpu.memory_space<vmem>>
        %dma_start3A_23 = arith.constant 0 : i32
        %dma_start3A_24 = tpu.memref_slice %arg7[%dma_start3A_23] : memref<1000448xf32, #tpu.memory_space<vmem_shared>> -> memref<1000448xf32, #tpu.memory_space<vmem_shared>>
        tpu.enqueue_indirect_dma source(%arg5 : memref<128xf32, #tpu.memory_space<vmem>>) target(%dma_start3A_24 : memref<1000448xf32, #tpu.memory_space<vmem_shared>>) offsets(%dma_start3A_22 : memref<128xi32, #tpu.memory_space<vmem>>) semaphore(%run_scoped3A_20 : memref<!tpu.dma_semaphore, #tpu.memory_space<semaphore_mem>>) {add = true}
        %dma_wait3A = arith.constant 0 : i32
        %dma_wait3A_25 = tpu.memref_slice %arg6[%run_scoped3A_13, %dma_wait3A] : memref<8x128xi32, #tpu.memory_space<vmem>> -> memref<1x128xi32, #tpu.memory_space<vmem>>
        %dma_wait3A_26 = tpu.memref_squeeze %dma_wait3A_25 : memref<1x128xi32, #tpu.memory_space<vmem>> -> memref<128xi32, #tpu.memory_space<vmem>>
        %dma_wait3A_27 = arith.constant 0 : i32
        %dma_wait3A_28 = tpu.memref_slice %arg7[%dma_wait3A_27] : memref<1000448xf32, #tpu.memory_space<vmem_shared>> -> memref<1000448xf32, #tpu.memory_space<vmem_shared>>
        tpu.wait_indirect_dma semaphore(%run_scoped3A_20 : memref<!tpu.dma_semaphore, #tpu.memory_space<semaphore_mem>>) src(%arg5 : memref<128xf32, #tpu.memory_space<vmem>>) dst(%dma_wait3A_28 : memref<1000448xf32, #tpu.memory_space<vmem_shared>>)
        tpu.yield
      }) : () -> ()
      %run_scoped3A_14 = arith.constant 2 : i32
      "tpu.region"() ({
        %run_scoped3A_20 = tpu.sem_alloc : memref<!tpu.dma_semaphore, #tpu.memory_space<semaphore_mem>>
        %dma_start3A = arith.constant 0 : i32
        %dma_start3A_21 = tpu.memref_slice %arg6[%run_scoped3A_14, %dma_start3A] : memref<8x128xi32, #tpu.memory_space<vmem>> -> memref<1x128xi32, #tpu.memory_space<vmem>>
        %dma_start3A_22 = tpu.memref_squeeze %dma_start3A_21 : memref<1x128xi32, #tpu.memory_space<vmem>> -> memref<128xi32, #tpu.memory_space<vmem>>
        %dma_start3A_23 = arith.constant 0 : i32
        %dma_start3A_24 = tpu.memref_slice %arg7[%dma_start3A_23] : memref<1000448xf32, #tpu.memory_space<vmem_shared>> -> memref<1000448xf32, #tpu.memory_space<vmem_shared>>
        tpu.enqueue_indirect_dma source(%arg5 : memref<128xf32, #tpu.memory_space<vmem>>) target(%dma_start3A_24 : memref<1000448xf32, #tpu.memory_space<vmem_shared>>) offsets(%dma_start3A_22 : memref<128xi32, #tpu.memory_space<vmem>>) semaphore(%run_scoped3A_20 : memref<!tpu.dma_semaphore, #tpu.memory_space<semaphore_mem>>) {add = true}
        %dma_wait3A = arith.constant 0 : i32
        %dma_wait3A_25 = tpu.memref_slice %arg6[%run_scoped3A_14, %dma_wait3A] : memref<8x128xi32, #tpu.memory_space<vmem>> -> memref<1x128xi32, #tpu.memory_space<vmem>>
        %dma_wait3A_26 = tpu.memref_squeeze %dma_wait3A_25 : memref<1x128xi32, #tpu.memory_space<vmem>> -> memref<128xi32, #tpu.memory_space<vmem>>
        %dma_wait3A_27 = arith.constant 0 : i32
        %dma_wait3A_28 = tpu.memref_slice %arg7[%dma_wait3A_27] : memref<1000448xf32, #tpu.memory_space<vmem_shared>> -> memref<1000448xf32, #tpu.memory_space<vmem_shared>>
        tpu.wait_indirect_dma semaphore(%run_scoped3A_20 : memref<!tpu.dma_semaphore, #tpu.memory_space<semaphore_mem>>) src(%arg5 : memref<128xf32, #tpu.memory_space<vmem>>) dst(%dma_wait3A_28 : memref<1000448xf32, #tpu.memory_space<vmem_shared>>)
        tpu.yield
      }) : () -> ()
      %run_scoped3A_15 = arith.constant 3 : i32
      "tpu.region"() ({
        %run_scoped3A_20 = tpu.sem_alloc : memref<!tpu.dma_semaphore, #tpu.memory_space<semaphore_mem>>
        %dma_start3A = arith.constant 0 : i32
        %dma_start3A_21 = tpu.memref_slice %arg6[%run_scoped3A_15, %dma_start3A] : memref<8x128xi32, #tpu.memory_space<vmem>> -> memref<1x128xi32, #tpu.memory_space<vmem>>
        %dma_start3A_22 = tpu.memref_squeeze %dma_start3A_21 : memref<1x128xi32, #tpu.memory_space<vmem>> -> memref<128xi32, #tpu.memory_space<vmem>>
        %dma_start3A_23 = arith.constant 0 : i32
        %dma_start3A_24 = tpu.memref_slice %arg7[%dma_start3A_23] : memref<1000448xf32, #tpu.memory_space<vmem_shared>> -> memref<1000448xf32, #tpu.memory_space<vmem_shared>>
        tpu.enqueue_indirect_dma source(%arg5 : memref<128xf32, #tpu.memory_space<vmem>>) target(%dma_start3A_24 : memref<1000448xf32, #tpu.memory_space<vmem_shared>>) offsets(%dma_start3A_22 : memref<128xi32, #tpu.memory_space<vmem>>) semaphore(%run_scoped3A_20 : memref<!tpu.dma_semaphore, #tpu.memory_space<semaphore_mem>>) {add = true}
        %dma_wait3A = arith.constant 0 : i32
        %dma_wait3A_25 = tpu.memref_slice %arg6[%run_scoped3A_15, %dma_wait3A] : memref<8x128xi32, #tpu.memory_space<vmem>> -> memref<1x128xi32, #tpu.memory_space<vmem>>
        %dma_wait3A_26 = tpu.memref_squeeze %dma_wait3A_25 : memref<1x128xi32, #tpu.memory_space<vmem>> -> memref<128xi32, #tpu.memory_space<vmem>>
        %dma_wait3A_27 = arith.constant 0 : i32
        %dma_wait3A_28 = tpu.memref_slice %arg7[%dma_wait3A_27] : memref<1000448xf32, #tpu.memory_space<vmem_shared>> -> memref<1000448xf32, #tpu.memory_space<vmem_shared>>
        tpu.wait_indirect_dma semaphore(%run_scoped3A_20 : memref<!tpu.dma_semaphore, #tpu.memory_space<semaphore_mem>>) src(%arg5 : memref<128xf32, #tpu.memory_space<vmem>>) dst(%dma_wait3A_28 : memref<1000448xf32, #tpu.memory_space<vmem_shared>>)
        tpu.yield
      }) : () -> ()
      %run_scoped3A_16 = arith.constant 4 : i32
      "tpu.region"() ({
        %run_scoped3A_20 = tpu.sem_alloc : memref<!tpu.dma_semaphore, #tpu.memory_space<semaphore_mem>>
        %dma_start3A = arith.constant 0 : i32
        %dma_start3A_21 = tpu.memref_slice %arg6[%run_scoped3A_16, %dma_start3A] : memref<8x128xi32, #tpu.memory_space<vmem>> -> memref<1x128xi32, #tpu.memory_space<vmem>>
        %dma_start3A_22 = tpu.memref_squeeze %dma_start3A_21 : memref<1x128xi32, #tpu.memory_space<vmem>> -> memref<128xi32, #tpu.memory_space<vmem>>
        %dma_start3A_23 = arith.constant 0 : i32
        %dma_start3A_24 = tpu.memref_slice %arg7[%dma_start3A_23] : memref<1000448xf32, #tpu.memory_space<vmem_shared>> -> memref<1000448xf32, #tpu.memory_space<vmem_shared>>
        tpu.enqueue_indirect_dma source(%arg5 : memref<128xf32, #tpu.memory_space<vmem>>) target(%dma_start3A_24 : memref<1000448xf32, #tpu.memory_space<vmem_shared>>) offsets(%dma_start3A_22 : memref<128xi32, #tpu.memory_space<vmem>>) semaphore(%run_scoped3A_20 : memref<!tpu.dma_semaphore, #tpu.memory_space<semaphore_mem>>) {add = true}
        %dma_wait3A = arith.constant 0 : i32
        %dma_wait3A_25 = tpu.memref_slice %arg6[%run_scoped3A_16, %dma_wait3A] : memref<8x128xi32, #tpu.memory_space<vmem>> -> memref<1x128xi32, #tpu.memory_space<vmem>>
        %dma_wait3A_26 = tpu.memref_squeeze %dma_wait3A_25 : memref<1x128xi32, #tpu.memory_space<vmem>> -> memref<128xi32, #tpu.memory_space<vmem>>
        %dma_wait3A_27 = arith.constant 0 : i32
        %dma_wait3A_28 = tpu.memref_slice %arg7[%dma_wait3A_27] : memref<1000448xf32, #tpu.memory_space<vmem_shared>> -> memref<1000448xf32, #tpu.memory_space<vmem_shared>>
        tpu.wait_indirect_dma semaphore(%run_scoped3A_20 : memref<!tpu.dma_semaphore, #tpu.memory_space<semaphore_mem>>) src(%arg5 : memref<128xf32, #tpu.memory_space<vmem>>) dst(%dma_wait3A_28 : memref<1000448xf32, #tpu.memory_space<vmem_shared>>)
        tpu.yield
      }) : () -> ()
      %run_scoped3A_17 = arith.constant 5 : i32
      "tpu.region"() ({
        %run_scoped3A_20 = tpu.sem_alloc : memref<!tpu.dma_semaphore, #tpu.memory_space<semaphore_mem>>
        %dma_start3A = arith.constant 0 : i32
        %dma_start3A_21 = tpu.memref_slice %arg6[%run_scoped3A_17, %dma_start3A] : memref<8x128xi32, #tpu.memory_space<vmem>> -> memref<1x128xi32, #tpu.memory_space<vmem>>
        %dma_start3A_22 = tpu.memref_squeeze %dma_start3A_21 : memref<1x128xi32, #tpu.memory_space<vmem>> -> memref<128xi32, #tpu.memory_space<vmem>>
        %dma_start3A_23 = arith.constant 0 : i32
        %dma_start3A_24 = tpu.memref_slice %arg7[%dma_start3A_23] : memref<1000448xf32, #tpu.memory_space<vmem_shared>> -> memref<1000448xf32, #tpu.memory_space<vmem_shared>>
        tpu.enqueue_indirect_dma source(%arg5 : memref<128xf32, #tpu.memory_space<vmem>>) target(%dma_start3A_24 : memref<1000448xf32, #tpu.memory_space<vmem_shared>>) offsets(%dma_start3A_22 : memref<128xi32, #tpu.memory_space<vmem>>) semaphore(%run_scoped3A_20 : memref<!tpu.dma_semaphore, #tpu.memory_space<semaphore_mem>>) {add = true}
        %dma_wait3A = arith.constant 0 : i32
        %dma_wait3A_25 = tpu.memref_slice %arg6[%run_scoped3A_17, %dma_wait3A] : memref<8x128xi32, #tpu.memory_space<vmem>> -> memref<1x128xi32, #tpu.memory_space<vmem>>
        %dma_wait3A_26 = tpu.memref_squeeze %dma_wait3A_25 : memref<1x128xi32, #tpu.memory_space<vmem>> -> memref<128xi32, #tpu.memory_space<vmem>>
        %dma_wait3A_27 = arith.constant 0 : i32
        %dma_wait3A_28 = tpu.memref_slice %arg7[%dma_wait3A_27] : memref<1000448xf32, #tpu.memory_space<vmem_shared>> -> memref<1000448xf32, #tpu.memory_space<vmem_shared>>
        tpu.wait_indirect_dma semaphore(%run_scoped3A_20 : memref<!tpu.dma_semaphore, #tpu.memory_space<semaphore_mem>>) src(%arg5 : memref<128xf32, #tpu.memory_space<vmem>>) dst(%dma_wait3A_28 : memref<1000448xf32, #tpu.memory_space<vmem_shared>>)
        tpu.yield
      }) : () -> ()
      %run_scoped3A_18 = arith.constant 6 : i32
      "tpu.region"() ({
        %run_scoped3A_20 = tpu.sem_alloc : memref<!tpu.dma_semaphore, #tpu.memory_space<semaphore_mem>>
        %dma_start3A = arith.constant 0 : i32
        %dma_start3A_21 = tpu.memref_slice %arg6[%run_scoped3A_18, %dma_start3A] : memref<8x128xi32, #tpu.memory_space<vmem>> -> memref<1x128xi32, #tpu.memory_space<vmem>>
        %dma_start3A_22 = tpu.memref_squeeze %dma_start3A_21 : memref<1x128xi32, #tpu.memory_space<vmem>> -> memref<128xi32, #tpu.memory_space<vmem>>
        %dma_start3A_23 = arith.constant 0 : i32
        %dma_start3A_24 = tpu.memref_slice %arg7[%dma_start3A_23] : memref<1000448xf32, #tpu.memory_space<vmem_shared>> -> memref<1000448xf32, #tpu.memory_space<vmem_shared>>
        tpu.enqueue_indirect_dma source(%arg5 : memref<128xf32, #tpu.memory_space<vmem>>) target(%dma_start3A_24 : memref<1000448xf32, #tpu.memory_space<vmem_shared>>) offsets(%dma_start3A_22 : memref<128xi32, #tpu.memory_space<vmem>>) semaphore(%run_scoped3A_20 : memref<!tpu.dma_semaphore, #tpu.memory_space<semaphore_mem>>) {add = true}
        %dma_wait3A = arith.constant 0 : i32
        %dma_wait3A_25 = tpu.memref_slice %arg6[%run_scoped3A_18, %dma_wait3A] : memref<8x128xi32, #tpu.memory_space<vmem>> -> memref<1x128xi32, #tpu.memory_space<vmem>>
        %dma_wait3A_26 = tpu.memref_squeeze %dma_wait3A_25 : memref<1x128xi32, #tpu.memory_space<vmem>> -> memref<128xi32, #tpu.memory_space<vmem>>
        %dma_wait3A_27 = arith.constant 0 : i32
        %dma_wait3A_28 = tpu.memref_slice %arg7[%dma_wait3A_27] : memref<1000448xf32, #tpu.memory_space<vmem_shared>> -> memref<1000448xf32, #tpu.memory_space<vmem_shared>>
        tpu.wait_indirect_dma semaphore(%run_scoped3A_20 : memref<!tpu.dma_semaphore, #tpu.memory_space<semaphore_mem>>) src(%arg5 : memref<128xf32, #tpu.memory_space<vmem>>) dst(%dma_wait3A_28 : memref<1000448xf32, #tpu.memory_space<vmem_shared>>)
        tpu.yield
      }) : () -> ()
      %run_scoped3A_19 = arith.constant 7 : i32
      "tpu.region"() ({
        %run_scoped3A_20 = tpu.sem_alloc : memref<!tpu.dma_semaphore, #tpu.memory_space<semaphore_mem>>
        %dma_start3A = arith.constant 0 : i32
        %dma_start3A_21 = tpu.memref_slice %arg6[%run_scoped3A_19, %dma_start3A] : memref<8x128xi32, #tpu.memory_space<vmem>> -> memref<1x128xi32, #tpu.memory_space<vmem>>
        %dma_start3A_22 = tpu.memref_squeeze %dma_start3A_21 : memref<1x128xi32, #tpu.memory_space<vmem>> -> memref<128xi32, #tpu.memory_space<vmem>>
        %dma_start3A_23 = arith.constant 0 : i32
        %dma_start3A_24 = tpu.memref_slice %arg7[%dma_start3A_23] : memref<1000448xf32, #tpu.memory_space<vmem_shared>> -> memref<1000448xf32, #tpu.memory_space<vmem_shared>>
        tpu.enqueue_indirect_dma source(%arg5 : memref<128xf32, #tpu.memory_space<vmem>>) target(%dma_start3A_24 : memref<1000448xf32, #tpu.memory_space<vmem_shared>>) offsets(%dma_start3A_22 : memref<128xi32, #tpu.memory_space<vmem>>) semaphore(%run_scoped3A_20 : memref<!tpu.dma_semaphore, #tpu.memory_space<semaphore_mem>>) {add = true}
        %dma_wait3A = arith.constant 0 : i32
        %dma_wait3A_25 = tpu.memref_slice %arg6[%run_scoped3A_19, %dma_wait3A] : memref<8x128xi32, #tpu.memory_space<vmem>> -> memref<1x128xi32, #tpu.memory_space<vmem>>
        %dma_wait3A_26 = tpu.memref_squeeze %dma_wait3A_25 : memref<1x128xi32, #tpu.memory_space<vmem>> -> memref<128xi32, #tpu.memory_space<vmem>>
        %dma_wait3A_27 = arith.constant 0 : i32
        %dma_wait3A_28 = tpu.memref_slice %arg7[%dma_wait3A_27] : memref<1000448xf32, #tpu.memory_space<vmem_shared>> -> memref<1000448xf32, #tpu.memory_space<vmem_shared>>
        tpu.wait_indirect_dma semaphore(%run_scoped3A_20 : memref<!tpu.dma_semaphore, #tpu.memory_space<semaphore_mem>>) src(%arg5 : memref<128xf32, #tpu.memory_space<vmem>>) dst(%dma_wait3A_28 : memref<1000448xf32, #tpu.memory_space<vmem_shared>>)
        tpu.yield
      }) : () -> ()
    } else {
    }
    %barrier3A_7 = arith.constant 0 : index
    tpu.barrier barrier_id(%barrier3A_7)
    %eq3A_8 = arith.constant 0 : i32
    %eq3A_9 = arith.cmpi eq, %arg0, %eq3A_8 : i32
    %convert_element_type3A_10 = arith.extui %eq3A_9 : i1 to i32
    %cond3A_11 = arith.constant 0 : i32
    %cond3A_12 = arith.cmpi ne, %convert_element_type3A_10, %cond3A_11 : i32
    scf.if %cond3A_12 {
      %mul3A = arith.constant 62528 : i32
      %mul3A_13 = arith.muli %arg1, %mul3A : i32
      "tpu.region"() ({
        %run_scoped3A = tpu.sem_alloc : memref<!tpu.dma_semaphore, #tpu.memory_space<semaphore_mem>>
        %dma_start3A = tpu.memref_slice %arg3[%mul3A_13] : memref<1000448xf32, #tpu.memory_space<hbm>> -> memref<62528xf32, #tpu.memory_space<hbm>>
        %dma_start3A_14 = tpu.memref_slice %arg7[%mul3A_13] : memref<1000448xf32, #tpu.memory_space<vmem_shared>> -> memref<62528xf32, #tpu.memory_space<vmem_shared>>
        tpu.enqueue_dma source(%dma_start3A_14 : memref<62528xf32, #tpu.memory_space<vmem_shared>>) target(%dma_start3A : memref<62528xf32, #tpu.memory_space<hbm>>) target_semaphore(%run_scoped3A : memref<!tpu.dma_semaphore, #tpu.memory_space<semaphore_mem>>)
        %dma_wait3A = tpu.memref_slice %arg3[%mul3A_13] : memref<1000448xf32, #tpu.memory_space<hbm>> -> memref<62528xf32, #tpu.memory_space<hbm>>
        %dma_wait3A_15 = tpu.memref_slice %arg7[%mul3A_13] : memref<1000448xf32, #tpu.memory_space<vmem_shared>> -> memref<62528xf32, #tpu.memory_space<vmem_shared>>
        tpu.wait_dma2 semaphore(%run_scoped3A : memref<!tpu.dma_semaphore, #tpu.memory_space<semaphore_mem>>) src(%dma_wait3A_15 : memref<62528xf32, #tpu.memory_space<vmem_shared>>) dst(%dma_wait3A : memref<62528xf32, #tpu.memory_space<hbm>>)
        tpu.yield
      }) : () -> ()
    } else {
    }
    return
  }
}

module attributes {stable_mosaic.version = 14 : i64} {
  func.func @_tc_body(%arg0: i32, %arg1: memref<1x125056xf32, #tpu.memory_space<vmem>>, %arg2: memref<10x125056xf32, #tpu.memory_space<vmem>>, %arg3: memref<4x10xf32, #tpu.memory_space<vmem>>, %arg4: memref<4x128xf32, #tpu.memory_space<vmem>>, %arg5: memref<4x16384xf32, #tpu.memory_space<vmem>>, %arg6: memref<10x1xf32, #tpu.memory_space<vmem>>) attributes {dimension_semantics = [#tpu.dimension_semantics<arbitrary>], iteration_bounds = array<i64: 8>, scalar_prefetch = 0 : i64, scratch_operands = 1 : i64, tpu.core_type = #tpu.core_type<tc>, window_params = [{transform_indices = @transform_0, window_bounds = array<i64: 1, 125056>}, {transform_indices = @transform_1, window_bounds = array<i64: 10, 125056>}, {pipeline_mode = #tpu.pipeline_mode<synchronous>, transform_indices = @transform_2, window_bounds = array<i64: 4, 10>}, {pipeline_mode = #tpu.pipeline_mode<synchronous>, transform_indices = @transform_3, window_bounds = array<i64: 4, 128>}, {pipeline_mode = #tpu.pipeline_mode<synchronous>, transform_indices = @transform_4, window_bounds = array<i64: 4, 16384>}]} {
    %eq3A = arith.constant 0 : i32
    %eq3A_0 = arith.cmpi eq, %arg0, %eq3A : i32
    %convert_element_type3A = arith.extui %eq3A_0 : i1 to i32
    %cond3A = arith.constant 0 : i32
    %cond3A_1 = arith.cmpi ne, %convert_element_type3A, %cond3A : i32
    scf.if %cond3A_1 {
      %broadcast_in_dim3A = arith.constant 0.000000e+00 : f32
      %broadcast_in_dim3A_13 = vector.broadcast %broadcast_in_dim3A : f32 to vector<10x1xf32>
      %swap3A = arith.constant 0 : index
      %swap3A_14 = arith.constant 0 : index
      %swap3A_15 = vector.load %arg6[%swap3A, %swap3A_14] : memref<10x1xf32, #tpu.memory_space<vmem>>, vector<10x1xf32>
      tpu.vector_store %arg6[%swap3A, %swap3A_14], %broadcast_in_dim3A_13 {strides = array<i32>} : memref<10x1xf32, #tpu.memory_space<vmem>>, vector<10x1xf32>,
    } else {
    }
    %get3A = arith.constant 0 : index
    %get3A_2 = arith.constant 0 : index
    %get3A_3 = vector.load %arg1[%get3A, %get3A_2] : memref<1x125056xf32, #tpu.memory_space<vmem>>, vector<1x125056xf32>
    %lt3A = arith.constant 7 : i32
    %lt3A_4 = arith.cmpi slt, %arg0, %lt3A : i32
    %convert_element_type3A_5 = arith.extui %lt3A_4 : i1 to i32
    %cond3A_6 = arith.constant 0 : i32
    %cond3A_7 = arith.cmpi ne, %convert_element_type3A_5, %cond3A_6 : i32
    scf.if %cond3A_7 {
      %get3A_13 = arith.constant 0 : index
      %get3A_14 = arith.constant 0 : index
      %get3A_15 = vector.load %arg6[%get3A_13, %get3A_14] : memref<10x1xf32, #tpu.memory_space<vmem>>, vector<10x1xf32>
      %get3A_16 = arith.constant 0 : index
      %get3A_17 = arith.constant 0 : index
      %get3A_18 = vector.load %arg2[%get3A_16, %get3A_17] : memref<10x125056xf32, #tpu.memory_space<vmem>>, vector<10x125056xf32>
      %dot_general3A = arith.constant dense<0.000000e+00> : vector<10x1xf32>
      %dot_general3A_19 = tpu.matmul %get3A_18, %get3A_3, %dot_general3A {dimension_numbers = #tpu.dot_dimension_numbers<[1], [1], [0], [0], [0, 0, 1, 0], [], []>, transpose_lhs_hint = false} : vector<10x125056xf32>, vector<1x125056xf32>, vector<10x1xf32> -> vector<10x1xf32>
      %add3A = arith.addf %get3A_15, %dot_general3A_19 : vector<10x1xf32>
      %swap3A = arith.constant 0 : index
      %swap3A_20 = arith.constant 0 : index
      %swap3A_21 = vector.load %arg6[%swap3A, %swap3A_20] : memref<10x1xf32, #tpu.memory_space<vmem>>, vector<10x1xf32>
      tpu.vector_store %arg6[%swap3A, %swap3A_20], %add3A {strides = array<i32>} : memref<10x1xf32, #tpu.memory_space<vmem>>, vector<10x1xf32>,
    } else {
    }
    %eq3A_8 = arith.constant 7 : i32
    %eq3A_9 = arith.cmpi eq, %arg0, %eq3A_8 : i32
    %convert_element_type3A_10 = arith.extui %eq3A_9 : i1 to i32
    %cond3A_11 = arith.constant 0 : i32
    %cond3A_12 = arith.cmpi ne, %convert_element_type3A_10, %cond3A_11 : i32
    scf.if %cond3A_12 {
      %iota3A = tpu.iota {dimensions = array<i32: 1>} : vector<10x125056xi32>
      %lt3A_13 = arith.constant 124608 : i32
      %lt3A_14 = vector.broadcast %lt3A_13 : i32 to vector<10x125056xi32>
      %lt3A_15 = arith.cmpi slt, %iota3A, %lt3A_14 : vector<10x125056xi32>
      %get3A_16 = arith.constant 0 : index
      %get3A_17 = arith.constant 0 : index
      %get3A_18 = vector.load %arg2[%get3A_16, %get3A_17] : memref<10x125056xf32, #tpu.memory_space<vmem>>, vector<10x125056xf32>
      %jit3A = arith.constant 0.000000e+00 : f32
      %broadcast_in_dim3A = vector.broadcast %jit3A : f32 to vector<10x125056xf32>
      %select_n3A = arith.select %lt3A_15, %get3A_18, %broadcast_in_dim3A : vector<10x125056xi1>, vector<10x125056xf32>
      %get3A_19 = arith.constant 0 : index
      %get3A_20 = arith.constant 0 : index
      %get3A_21 = vector.load %arg6[%get3A_19, %get3A_20] : memref<10x1xf32, #tpu.memory_space<vmem>>, vector<10x1xf32>
      %dot_general3A = arith.constant dense<0.000000e+00> : vector<10x1xf32>
      %dot_general3A_22 = tpu.matmul %select_n3A, %get3A_3, %dot_general3A {dimension_numbers = #tpu.dot_dimension_numbers<[1], [1], [0], [0], [0, 0, 1, 0], [], []>, transpose_lhs_hint = false} : vector<10x125056xf32>, vector<1x125056xf32>, vector<10x1xf32> -> vector<10x1xf32>
      %add3A = arith.addf %get3A_21, %dot_general3A_22 : vector<10x1xf32>
      %get3A_23 = arith.constant 0 : index
      %get3A_24 = arith.constant 0 : index
      %get3A_25 = vector.load %arg3[%get3A_23, %get3A_24] : memref<4x10xf32, #tpu.memory_space<vmem>>, vector<4x10xf32>
      %dot_general3A_26 = arith.constant dense<0.000000e+00> : vector<4x1xf32>
      %dot_general3A_27 = tpu.matmul %get3A_25, %add3A, %dot_general3A_26 {dimension_numbers = #tpu.dot_dimension_numbers<[1], [0], [0], [1], [0, 0, 1, 1], [], []>, transpose_lhs_hint = false} : vector<4x10xf32>, vector<10x1xf32>, vector<4x1xf32> -> vector<4x1xf32>
      %mul3A = arith.constant 6.10351563E-5 : f32
      %mul3A_28 = vector.broadcast %mul3A : f32 to vector<4x1xf32>
      %mul3A_29 = arith.mulf %dot_general3A_27, %mul3A_28 : vector<4x1xf32>
      %get3A_30 = arith.constant 0 : index
      %get3A_31 = arith.constant 0 : index
      %get3A_32 = vector.load %arg4[%get3A_30, %get3A_31] : memref<4x128xf32, #tpu.memory_space<vmem>>, vector<4x1xf32>
      %iota3A_33 = tpu.iota {dimensions = array<i32: 1>} : vector<4x16384xi32>
      %eq3A_34 = arith.constant 16383 : i32
      %eq3A_35 = vector.broadcast %eq3A_34 : i32 to vector<4x16384xi32>
      %eq3A_36 = arith.cmpi eq, %iota3A_33, %eq3A_35 : vector<4x16384xi32>
      %add3A_37 = arith.addf %mul3A_29, %get3A_32 : vector<4x1xf32>
      %broadcast_in_dim3A_38 = vector.shape_cast %add3A_37 : vector<4x1xf32> to vector<4x1xf32>
      %broadcast_in_dim3A_39 = vector.broadcast %broadcast_in_dim3A_38 : vector<4x1xf32> to vector<4x16384xf32>
      %broadcast_in_dim3A_40 = vector.shape_cast %get3A_32 : vector<4x1xf32> to vector<4x1xf32>
      %broadcast_in_dim3A_41 = vector.broadcast %broadcast_in_dim3A_40 : vector<4x1xf32> to vector<4x16384xf32>
      %select_n3A_42 = arith.select %eq3A_36, %broadcast_in_dim3A_39, %broadcast_in_dim3A_41 : vector<4x16384xi1>, vector<4x16384xf32>
      %swap3A = arith.constant 0 : index
      %swap3A_43 = arith.constant 0 : index
      %swap3A_44 = vector.load %arg5[%swap3A, %swap3A_43] : memref<4x16384xf32, #tpu.memory_space<vmem>>, vector<4x16384xf32>
      tpu.vector_store %arg5[%swap3A, %swap3A_43], %select_n3A_42 {strides = array<i32>} : memref<4x16384xf32, #tpu.memory_space<vmem>>, vector<4x16384xf32>,
    } else {
    }
    return
  }
  func.func @transform_0(%arg0: i32) -> (i32, i32) {
    %c0_i32 = arith.constant 0 : i32
    %c0_i32_0 = arith.constant 0 : i32
    return %c0_i32, %arg0 : i32, i32
  }
  func.func @transform_1(%arg0: i32) -> (i32, i32) {
    %c0_i32 = arith.constant 0 : i32
    %c0_i32_0 = arith.constant 0 : i32
    return %c0_i32, %arg0 : i32, i32
  }
  func.func @transform_2(%arg0: i32) -> (i32, i32) {
    %c0_i32 = arith.constant 0 : i32
    %c0_i32_0 = arith.constant 0 : i32
    %c0_i32_1 = arith.constant 0 : i32
    return %c0_i32, %c0_i32_0 : i32, i32
  }
  func.func @transform_3(%arg0: i32) -> (i32, i32) {
    %c0_i32 = arith.constant 0 : i32
    %c0_i32_0 = arith.constant 0 : i32
    %c0_i32_1 = arith.constant 0 : i32
    return %c0_i32, %c0_i32_0 : i32, i32
  }
  func.func @transform_4(%arg0: i32) -> (i32, i32) {
    %c0_i32 = arith.constant 0 : i32
    %c0_i32_0 = arith.constant 0 : i32
    %c0_i32_1 = arith.constant 0 : i32
    return %c0_i32, %c0_i32_0 : i32, i32
  }
}

</mosaic_0001>

<sc_bundles>
// kernel: kernel.4.cloned.1.call-start
scs
__scs_entry_jumppad:
0x0: {  	(pc) =	sbr.rel $0x88, $3  }
0x1: {  	(tag) =	ssettag $0x0;
	lr =	simm.s32 $0x1  }
0x2: {  	[smem:$0x3F9D] =	sst lr;
	_ =	strace $0xD0000000  }
0x3: {  	_ = 	snop  }
0x4: {  	_ = 	snop  }
0x5: {  	_ = 	snop  }
0x6: {  	_ = 	snop  }
0x7: {  	_ = 	snop  }
__scs_overlays_trampoline_lowered:
0x8: {  	[smem:$0x3FAC] =	sst s0  }
0x9: {  	[smem:$0x3FAD] =	sst s1  }
0xa: {  	[smem:$0x3FAE] =	sst s2  }
0xb: {  	[smem:$0x3FAF] =	sst s3  }
0xc: {  	[smem:$0x3FB0] =	sst s4  }
0xd: {  	[smem:$0x3FB1] =	sst s5  }
0xe: {  	[smem:$0x3FB2] =	sst s6  }
0xf: {  	[smem:$0x3FB3] =	sst s7  }
0x10: {  	[smem:$0x3FB4] =	sst s8  }
0x11: {  	[smem:$0x3FB5] =	sst s9;
	s0 =	simm.s32 @!p0 $0x0  }
0x12: {  	s1 =	sld [smem:$0x3F9B];
	s0 =	simm.s32 @p0 $0x1  }
0x13: {  	[smem:$0x3FB6] =	sst s0;
	s0 =	simm.s32 @!p1 $0x0  }
0x14: {  	s2 =	sld [smem:$0x3F9A];
	s0 =	simm.s32 @p1 $0x1  }
0x15: {  	[smem:$0x3FB7] =	sst s0;
	s0 =	simm.s32 @!p2 $0x0  }
0x16: {  	s3 =	sld [smem:$0x3FDB];
	s0 =	simm.s32 @p2 $0x1  }
0x17: {  	s4 =	simm.s32 $0x1BF5;
	[smem:$0x3FB9] =	sst s0  }
0x18: {  	s0 =	sld [smem:$0x3F9C];
	_ =	swait.ge [sflag:s4], $0x0  }
0x19: {  	s7 =	sld [smem:$0x3F9D]  }
0x1a: {  	s8 =	sadd.s32 $0xFFFFE003, lr  }
0x1b: {  	s9 =	sadd.s32 $0xFFFFFEF7, lr;
	s5 =	simm.s32 $0xFFFFFFFF;
	p2 =	slt.u32 s8, $0xFFFFF086  }
0x1c: {  	p1 =	slt.u32 s9, $0xF7A;
	s5 =	simm.s32 @!p2 $0x0  }
0x1d: {  	s5 =	simm.s32 @p1 $0x1;
	p0 =	seq.s32 s7, s2  }
0x1e: {  	s7 =	smul.u32 @!p0 $0xF7A, s2;
	p2 =	seq.s32 @!p0 s5, $0x0  }
0x1f: {  	s9 =	smul.u32 $0xF7A, s1;
	s8 =	simm.s32 @!p0 $0x1BF5;
	p2 =	por !p2, p0  }
0x20: {  	[sflag:s8] =	ssyncset.s32 @!p0 $0xFFFFF086;
	s6 =	sadd.s32 @!p0 s3, s7;
	s7 =	simm.s32 @!p0 $0x108  }
0x21: {  	s3 =	sadd.s32 s3, s9;
	s6 =	sadd.s32 @!p0 $0x88, s6;
	s7 =	simm.s32 @p2 $0x1082  }
0x22: {  	[simem:s7], [sflag:s8] =	dma.local @!p0 [hbm:s6], $0xF7A  }
0x23: {  	s9 =	sor.u32 $0xD0000000, s2;
	s6 =	simm.s32 $0x108;
	_ =	swait.ge @!p0 [sflag:s8], $0x0  }
0x24: {  	s3 =	sadd.s32 $0x88, s3;
	s6 =	simm.s32 @!p1 $0x1082;
	[sflag:s4] =	ssyncset.s32 $0xFFFFF086  }
0x25: {  	[simem:s6], [sflag:s4] =	dma.local [hbm:s3], $0xF7A  }
0x26: {  	[smem:$0x3F9D] =	sst s1;
	(tag) =	ssettag s2;
	_ =	strace s9  }
0x27: {  	s1 =	sld [smem:$0x3FAD]  }
0x28: {  	s2 =	sld [smem:$0x3FAE]  }
0x29: {  	s4 =	sld [smem:$0x3FB0]  }
0x2a: {  	p0 =	seq.s32 s5, $0x0;
	s5 =	sld [smem:$0x3FB1]  }
0x2b: {  	s6 =	sld [smem:$0x3FB2]  }
0x2c: {  	s7 =	sld [smem:$0x3FB3]  }
0x2d: {  	s3 =	simm.s32 $0x108;
	s8 =	sld [smem:$0x3FB4]  }
0x2e: {  	s3 =	simm.s32 @!p0 $0x1082;
	s9 =	sld [smem:$0x3FB5]  }
0x2f: {  	lr =	sadd.s32 s0, s3;
	s0 =	sld [smem:$0x3FAC]  }
0x30: {  	s3 =	sld [smem:$0x3FAF]  }
0x31: {  	[smem:$0x3FB8] =	sst s10  }
0x32: {  	s10 =	sld [smem:$0x3FB6];
	_ =	sdelay $0x3  }
0x33: {  	p0 =	seq.s32 s10, $0x1;
	s10 =	sld [smem:$0x3FB8];
	_ =	sdelay $0x3  }
0x34: {  	[smem:$0x3FB8] =	sst s10  }
0x35: {  	s10 =	sld [smem:$0x3FB7];
	_ =	sdelay $0x3  }
0x36: {  	p1 =	seq.s32 s10, $0x1;
	s10 =	sld [smem:$0x3FB8];
	_ =	sdelay $0x3  }
0x37: {  	[smem:$0x3FB8] =	sst s10  }
0x38: {  	s10 =	sld [smem:$0x3FB9]  }
0x39: {  	_ = 	snop;
	(pc) =	sbr.ind lr, $3  }
0x3a: {  	_ = 	snop  }
0x3b: {  	_ = 	snop  }
0x3c: {  	p2 =	seq.s32 s10, $0x1;
	s10 =	sld [smem:$0x3FB8]  }
0x3d: {  	_ =	shalt  }
0x3e: {  	_ =	shalt  }
0x3f: {  	_ =	shalt  }
0x40: {  	_ =	shalt  }
0x41: {  	_ =	shalt  }
0x42: {  	_ =	shalt  }
0x43: {  	_ =	shalt  }
0x44: {  	_ =	shalt  }
0x45: {  	_ =	shalt  }
0x46: {  	_ =	shalt  }
0x47: {  	_ =	shalt  }
0x48: {  	_ =	shalt  }
0x49: {  	_ =	shalt  }
0x4a: {  	_ =	shalt  }
0x4b: {  	_ =	shalt  }
0x4c: {  	_ =	shalt  }
0x4d: {  	_ =	shalt  }
0x4e: {  	_ =	shalt  }
0x4f: {  	_ =	shalt  }
0x50: {  	_ =	shalt  }
0x51: {  	_ =	shalt  }
0x52: {  	_ =	shalt  }
0x53: {  	_ =	shalt  }
0x54: {  	_ =	shalt  }
0x55: {  	_ =	shalt  }
0x56: {  	_ =	shalt  }
0x57: {  	_ =	shalt  }
0x58: {  	_ =	shalt  }
0x59: {  	_ =	shalt  }
0x5a: {  	_ =	shalt  }
0x5b: {  	_ =	shalt  }
0x5c: {  	_ =	shalt  }
0x5d: {  	_ =	shalt  }
0x5e: {  	_ =	shalt  }
0x5f: {  	_ =	shalt  }
0x60: {  	_ =	shalt  }
0x61: {  	_ =	shalt  }
0x62: {  	_ =	shalt  }
0x63: {  	_ =	shalt  }
0x64: {  	_ =	shalt  }
0x65: {  	_ =	shalt  }
0x66: {  	_ =	shalt  }
0x67: {  	_ =	shalt  }
0x68: {  	_ =	shalt  }
0x69: {  	_ =	shalt  }
0x6a: {  	_ =	shalt  }
0x6b: {  	_ =	shalt  }
0x6c: {  	_ =	shalt  }
0x6d: {  	_ =	shalt  }
0x6e: {  	_ =	shalt  }
0x6f: {  	_ =	shalt  }
0x70: {  	_ =	shalt  }
0x71: {  	_ =	shalt  }
0x72: {  	_ =	shalt  }
0x73: {  	_ =	shalt  }
0x74: {  	_ =	shalt  }
0x75: {  	_ =	shalt  }
0x76: {  	_ =	shalt  }
0x77: {  	_ =	shalt  }
0x78: {  	_ =	shalt  }
0x79: {  	_ =	shalt  }
0x7a: {  	_ =	shalt  }
0x7b: {  	_ =	shalt  }
0x7c: {  	_ =	shalt  }
0x7d: {  	_ =	shalt  }
0x7e: {  	_ =	shalt  }
0x7f: {  	_ =	shalt  }
0x80: {  	_ =	shalt  }
0x81: {  	_ =	shalt  }
0x82: {  	_ =	shalt  }
0x83: {  	_ =	shalt  }
0x84: {  	_ =	shalt  }
0x85: {  	_ =	shalt  }
0x86: {  	_ =	shalt  }
0x87: {  	_ =	shalt  }
.Lfunc_end0:
.L_simem_size_0:
called_computation_lowered:
.L_overlay_start_0:
0x88: {  	s2 =	sld [smem:$0x3FD9]  }
0x89: {  	s3 =	sld [smem:$0x3FFE];
	_ =	sdelay $0x1  }
0x8a: {  	s1 =	srdreg.scid  }
0x8b: {  	s0 =	sand.u32 $0x1, s1  }
0x8c: {  	s17 =	sshll.u32 s0, $0xA;
	s2 =	sadd.s32 s3, s2  }
0x8d: {  	s2 =	sadd.s32 s2, s17  }
0x8e: {  	[smem:$0x3FC4] =	sst s2  }
0x8f: {  	_ = 	snop  }
0x90: {  	s2 =	sld [smem:$0x3FC9];
	(tm) =	ssettm $0x1  }
0x91: {  	s18 =	sld [smem:$0x3FFB];
	_ =	sdelay $0x3  }
0x92: {  	_ =	strace s18  }
0x93: {  	s3 =	sld [smem:$0x3FFC];
	_ =	sdelay $0x3  }
0x94: {  	_ =	strace s3  }
0x95: {  	s3 =	sld [smem:$0x3FFD];
	_ =	sdelay $0x3  }
0x96: {  	_ =	strace s3  }
0x97: {  	_ =	strace $0x8FFFFFFF  }
0x98: {  	s19 =	sld [smem:$0x3FDB];
	_ =	sdelay $0x1  }
0x99: {  	s4 =	simm.s32 $_scs_section_size  }
0x9a: {  	s5 =	simm.s32 $_size__tile_overlayer_lowered;
	s6 =	simm.s32 $_tile_overlayer_lowered  }
0x9b: {  	s22 =	simm.s32 $0x1BFF;
	s21 =	sshll.u32 s6, $0x1;
	s3 =	sadd.s32 s4, s19  }
0x9c: {  	s7 =	simm.s32 $0x0;
	s20 =	sshll.u32 s5, $0x1;
	s5 =	sadd.s32 s21, s3  }
0x9d: {  	[timem:s7], [sflag:s22] =	dma.local [hbm:s5], s20  }
0x9e: {  	_ =	swait.ge [sflag:s22], s20  }
0x9f: {  	s4 =	ssub.s32 $0x0, s20;
	[sflag:s22] =	ssyncset.done $0x0  }
0xa0: {  	[sflag:s22] =	ssyncadd.s32 s4;
	_ =	sdelay $0x1  }
0xa1: {  	s23 =	simm.s32 $0x1B8B  }
0xa2: {  	_ =	swait.ge [sflag:s23], $0x1  }
0xa3: {  	[sflag:s23] =	ssyncset.done $0x0  }
0xa4: {  	s25 =	simm.s32 $0x1B8E;
	s24 =	sld [smem:$0x3FFE];
	[sflag:s23] =	ssyncadd.s32 $0xFFFFFFFF  }
0xa5: {  	s26 =	simm.s32 $execute0_lowered;
	[smem:$0x3FD2] =	sst s25  }
0xa6: {  	s5 =	sshll.u32 s26, $0x1;
	_ =	strace $0x80000046;
	[dreg:$0x1] =	wrdreg $0xFFFFFFFF  }
0xa7: {  	s28 =	simm.s32 $_size_execute0_lowered;
	s3 =	sadd.s32 s3, s5;
	[dreg:$0x0] =	wrdreg $0x0  }
0xa8: {  	s5 =	sshll.u32 s28, $0x1;
	[dreg:$0x2] =	wrdreg s3  }
0xa9: {  	[dreg:$0x3] =	wrdreg s5  }
0xaa: {  	[dreg:$0x4] =	wrdreg $0xC0  }
0xab: {  	_ =	task [dreg:s7], $0x5FFFF  }
0xac: {  	[dreg:$0x1] =	wrdreg $0xFFFFFFFF  }
0xad: {  	[dreg:$0x0] =	wrdreg $0x60  }
0xae: {  	[dreg:$0x2] =	wrdreg s2  }
0xaf: {  	[dreg:$0x3] =	wrdreg s24  }
0xb0: {  	[dreg:$0x4] =	wrdreg $0x14800  }
0xb1: {  	[dreg:$0x5] =	wrdreg $0x9  }
0xb2: {  	_ =	task.clear_ibuf [dreg:s7], $0x6FFFF;
	_ =	strace $0x90000046  }
0xb3: {  	s29 =	simm.s32 $0x9;
	_ =	strace $0x80000048  }
0xb4: {  	_ =	swait.ge [sflag:s29], $0x1  }
0xb5: {  	[sflag:s29] =	ssyncadd.s32 $0xFFFFFFFF  }
0xb6: {  	_ =	strace $0x90000048  }
0xb7: {  	_ =	sfence  }
0xb8: {  	s30 =	sld [smem:$0x0];
	_ =	sdelay $0x2  }
0xb9: {  	s31 =	sshll.u32 s1, $0xD;
	s1 =	sshrl.u32 s1, $0x2  }
0xba: {  	s3 =	sand.u32 $0x4000, s31;
	s1 =	sadd.s32 s1, s30  }
0xbb: {  	s0 =	sor.u32 s3, s0;
	s1 =	sshll.u32 s1, $0x11  }
0xbc: {  	s0 =	sor.u32 s1, s0  }
0xbd: {  	s0 =	sadd.s32 $0x8F2B, s0  }
0xbe: {  	[sflag:s0] =	ssyncadd.remote.s32 $0x1  }
0xbf: {  	_ =	sfence.sel $0xFFFF  }
0xc0: {  	[dreg:$0x0] =	wrdreg $0xFFFFFFFF;
	(pc) =	sbr.abs _section_cstart, $3  }
0xc1: {  	[dreg:$0x1] =	wrdreg $0xFFFFFFFF  }
0xc2: {  	_ =	task.clear_ibuf [dreg:s7], $0x2FFFF;
	_ =	strace $0x9FFFFFFF  }
0xc3: {  	(tm) =	ssettm $0x7FFFFFFF  }
tec
execute0_lowered:
.L_overlay_start_1:
0x0: {  	(tag) =	ssettag $0x1  }
0x1: {  	s0 =	rddreg [dreg:$0x0]  }
0x2: {  	s1 =	rddreg [dreg:$0x1]  }
0x3: {  	s2 =	rddreg [dreg:$0x2]  }
0x4: {  	s10 =	stileid.u32;
	s3 =	simm.s32 $0x0;
	s4 =	srdreg.scid  }
0x5: {  	s11 =	simm.s32 $0x1400;
	s5 =	smul.u32 $0x3D100, s10;
	[smem:$0x7FF] =	sst s3  }
0x6: {  	s6 =	smul.u32 $0xF440, s10;
	s7 =	sand.u32 $0x1, s4;
	s25 =	sshll.u32 s10, $0x7  }
0x7: {  	s10 =	simm.s32 $0x1380;
	_ =	strace $0x80000047;
	s12 =	sshrl.u32 s5, $0x2  }
0x8: {  	s8 =	ssub.s32 $0x2, s7;
	p0 =	seq.s32 s7, $0x0;
	s4 =	sadd.s32 s12, s2  }
0x9: {  	s7 =	simm.s32 $0x1200;
	s13 =	sshrl.u32 s6, $0x3;
	s15 =	sadd.s32 $0x1000, s4  }
0xa: {  	s9 =	sshrl.u32 s8, $0x1;
	s16 =	sadd.s32 $0x2000, s4;
	[dreg:$0x4] =	wrdreg s15  }
0xb: {  	s26 =	sadd.s32 s6, s2;
	s17 =	sadd.s32 $0x3000, s4;
	[dreg:$0x5] =	wrdreg s16  }
0xc: {  	s5 =	simm.s32 $0x1100;
	s18 =	sadd.s32 $0x4000, s4;
	[dreg:$0x6] =	wrdreg s17  }
0xd: {  	s6 =	simm.s32 $0x1180;
	s19 =	sadd.s32 $0x5000, s4;
	[dreg:$0x7] =	wrdreg s18  }
0xe: {  	s1 =	sadd.s32 s13, s1;
	s20 =	sadd.s32 $0x6000, s4;
	[dreg:$0x8] =	wrdreg s19  }
0xf: {  	s14 =	ssub.s32 s8, s9;
	s21 =	sadd.s32 $0x7000, s4;
	[dreg:$0x9] =	wrdreg s20  }
0x10: {  	s8 =	simm.s32 $0x1280;
	s22 =	sadd.s32 $0x8000, s4;
	[dreg:$0xa] =	wrdreg s21  }
0x11: {  	s9 =	simm.s32 $0x1300;
	s23 =	sadd.s32 $0x9000, s4;
	[dreg:$0xb] =	wrdreg s22  }
0x12: {  	s12 =	simm.s32 $0x80;
	s24 =	sadd.s32 $0xA000, s4;
	[dreg:$0xc] =	wrdreg s23  }
0x13: {  	s13 =	simm.s32 $0x1000;
	[dreg:$0xd] =	wrdreg s24;
	s15 =	sadd.s32 $0xB000, s4  }
0x14: {  	s16 =	sadd.s32 $0xC000, s4;
	s17 =	sadd.s32 $0xD000, s4;
	s18 =	sadd.s32 $0xE000, s4  }
.Ltmp0:
0x15: {  	s19 =	sadd.s32 s0, s25;
	s20 =	sadd.s32 $0xF000, s4;
	(pc) =	sbr.rel .LBB2_1-.Ltmp0, $4  }
0x16: {  	s23 =	sadd.s32 $0x800, s1;
	s24 =	smax.u32 s14, $0x1;
	s25 =	sshrl.u32 s26, $0x3  }
0x17: {  	s0 =	simm.s32 $0x1;
	s1 =	simm.s32 $0x1080;
	s21 =	sadd.s32 $0x10, s19  }
0x18: {  	s22 =	sadd.s32 $0x20, s19;
	s26 =	sadd.s32 $0x30, s19;
	s28 =	sadd.s32 $0x40, s19  }
0x19: {  	v0 =	vimm.f32 $0.0e+00;
	v1 =	vimm.f32 $1.000000000e+00;
	s29 =	sadd.s32 $0x50, s19;
	s30 =	sadd.s32 $0x60, s19;
	s31 =	sadd.s32 $0x70, s19  }
.LBB2_3:
0x1a: {  	[tilespmem:$0x0] =	vst v0  }
0x1b: {  	[tilespmem:$0x10] =	vst v0  }
0x1c: {  	[tilespmem:$0x20] =	vst v0  }
0x1d: {  	[tilespmem:$0x30] =	vst v0  }
0x1e: {  	[tilespmem:$0x40] =	vst v0  }
0x1f: {  	[tilespmem:$0x50] =	vst v0  }
0x20: {  	[tilespmem:$0x60] =	vst v0  }
0x21: {  	[tilespmem:$0x70] =	vst v0  }
0x22: {  	[tilespmem:$0x80] =	vst v0  }
0x23: {  	[tilespmem:$0x90] =	vst v0  }
0x24: {  	[tilespmem:$0xA0] =	vst v0  }
0x25: {  	[tilespmem:$0xB0] =	vst v0  }
0x26: {  	[tilespmem:$0xC0] =	vst v0  }
0x27: {  	[tilespmem:$0xD0] =	vst v0  }
0x28: {  	[tilespmem:$0xE0] =	vst v0  }
0x29: {  	[tilespmem:$0xF0] =	vst v0  }
0x2a: {  	[tilespmem:$0x100] =	vst v0  }
0x2b: {  	[tilespmem:$0x110] =	vst v0  }
0x2c: {  	[tilespmem:$0x120] =	vst v0  }
0x2d: {  	[tilespmem:$0x130] =	vst v0  }
0x2e: {  	[tilespmem:$0x140] =	vst v0  }
0x2f: {  	[tilespmem:$0x150] =	vst v0  }
0x30: {  	[tilespmem:$0x160] =	vst v0  }
0x31: {  	[tilespmem:$0x170] =	vst v0  }
0x32: {  	[tilespmem:$0x180] =	vst v0  }
0x33: {  	[tilespmem:$0x190] =	vst v0  }
0x34: {  	[tilespmem:$0x1A0] =	vst v0  }
0x35: {  	[tilespmem:$0x1B0] =	vst v0  }
0x36: {  	[tilespmem:$0x1C0] =	vst v0  }
0x37: {  	[tilespmem:$0x1D0] =	vst v0  }
0x38: {  	[tilespmem:$0x1E0] =	vst v0  }
0x39: {  	[tilespmem:$0x1F0] =	vst v0  }
0x3a: {  	[tilespmem:$0x200] =	vst v0  }
0x3b: {  	[tilespmem:$0x210] =	vst v0  }
0x3c: {  	[tilespmem:$0x220] =	vst v0  }
0x3d: {  	[tilespmem:$0x230] =	vst v0  }
0x3e: {  	[tilespmem:$0x240] =	vst v0  }
0x3f: {  	[tilespmem:$0x250] =	vst v0  }
0x40: {  	[tilespmem:$0x260] =	vst v0  }
0x41: {  	[tilespmem:$0x270] =	vst v0  }
0x42: {  	[tilespmem:$0x280] =	vst v0  }
0x43: {  	[tilespmem:$0x290] =	vst v0  }
0x44: {  	[tilespmem:$0x2A0] =	vst v0  }
0x45: {  	[tilespmem:$0x2B0] =	vst v0  }
0x46: {  	[tilespmem:$0x2C0] =	vst v0  }
0x47: {  	[tilespmem:$0x2D0] =	vst v0  }
0x48: {  	[tilespmem:$0x2E0] =	vst v0  }
0x49: {  	[tilespmem:$0x2F0] =	vst v0  }
0x4a: {  	[tilespmem:$0x300] =	vst v0  }
0x4b: {  	[tilespmem:$0x310] =	vst v0  }
0x4c: {  	[tilespmem:$0x320] =	vst v0  }
0x4d: {  	[tilespmem:$0x330] =	vst v0  }
0x4e: {  	[tilespmem:$0x340] =	vst v0  }
0x4f: {  	[tilespmem:$0x350] =	vst v0  }
0x50: {  	[tilespmem:$0x360] =	vst v0  }
0x51: {  	[tilespmem:$0x370] =	vst v0  }
0x52: {  	[tilespmem:$0x380] =	vst v0  }
0x53: {  	[tilespmem:$0x390] =	vst v0  }
0x54: {  	[tilespmem:$0x3A0] =	vst v0  }
0x55: {  	[tilespmem:$0x3B0] =	vst v0  }
0x56: {  	[tilespmem:$0x3C0] =	vst v0  }
0x57: {  	[tilespmem:$0x3D0] =	vst v0  }
0x58: {  	[tilespmem:$0x3E0] =	vst v0  }
0x59: {  	[tilespmem:$0x3F0] =	vst v0  }
0x5a: {  	[tilespmem:$0x400] =	vst v0  }
0x5b: {  	[tilespmem:$0x410] =	vst v0  }
0x5c: {  	[tilespmem:$0x420] =	vst v0  }
0x5d: {  	[tilespmem:$0x430] =	vst v0  }
0x5e: {  	[tilespmem:$0x440] =	vst v0  }
0x5f: {  	[tilespmem:$0x450] =	vst v0  }
0x60: {  	[tilespmem:$0x460] =	vst v0  }
0x61: {  	[tilespmem:$0x470] =	vst v0  }
0x62: {  	[tilespmem:$0x480] =	vst v0  }
0x63: {  	[tilespmem:$0x490] =	vst v0  }
0x64: {  	[tilespmem:$0x4A0] =	vst v0  }
0x65: {  	[tilespmem:$0x4B0] =	vst v0  }
0x66: {  	[tilespmem:$0x4C0] =	vst v0  }
0x67: {  	[tilespmem:$0x4D0] =	vst v0  }
0x68: {  	[tilespmem:$0x4E0] =	vst v0  }
0x69: {  	[tilespmem:$0x4F0] =	vst v0  }
0x6a: {  	[tilespmem:$0x500] =	vst v0  }
0x6b: {  	[tilespmem:$0x510] =	vst v0  }
0x6c: {  	[tilespmem:$0x520] =	vst v0  }
0x6d: {  	[tilespmem:$0x530] =	vst v0  }
0x6e: {  	[tilespmem:$0x540] =	vst v0  }
0x6f: {  	[tilespmem:$0x550] =	vst v0  }
0x70: {  	[tilespmem:$0x560] =	vst v0  }
0x71: {  	[tilespmem:$0x570] =	vst v0  }
0x72: {  	[tilespmem:$0x580] =	vst v0  }
0x73: {  	[tilespmem:$0x590] =	vst v0  }
0x74: {  	[tilespmem:$0x5A0] =	vst v0  }
0x75: {  	[tilespmem:$0x5B0] =	vst v0  }
0x76: {  	[tilespmem:$0x5C0] =	vst v0  }
0x77: {  	[tilespmem:$0x5D0] =	vst v0  }
0x78: {  	[tilespmem:$0x5E0] =	vst v0  }
0x79: {  	[tilespmem:$0x5F0] =	vst v0  }
0x7a: {  	[tilespmem:$0x600] =	vst v0  }
0x7b: {  	[tilespmem:$0x610] =	vst v0  }
0x7c: {  	[tilespmem:$0x620] =	vst v0  }
0x7d: {  	[tilespmem:$0x630] =	vst v0  }
0x7e: {  	[tilespmem:$0x640] =	vst v0  }
0x7f: {  	[tilespmem:$0x650] =	vst v0  }
0x80: {  	[tilespmem:$0x660] =	vst v0  }
0x81: {  	[tilespmem:$0x670] =	vst v0  }
0x82: {  	[tilespmem:$0x680] =	vst v0  }
0x83: {  	[tilespmem:$0x690] =	vst v0  }
0x84: {  	[tilespmem:$0x6A0] =	vst v0  }
0x85: {  	[tilespmem:$0x6B0] =	vst v0  }
0x86: {  	[tilespmem:$0x6C0] =	vst v0  }
0x87: {  	[tilespmem:$0x6D0] =	vst v0  }
0x88: {  	[tilespmem:$0x6E0] =	vst v0  }
0x89: {  	[tilespmem:$0x6F0] =	vst v0  }
0x8a: {  	[tilespmem:$0x700] =	vst v0  }
0x8b: {  	[tilespmem:$0x710] =	vst v0  }
0x8c: {  	[tilespmem:$0x720] =	vst v0  }
0x8d: {  	[tilespmem:$0x730] =	vst v0  }
0x8e: {  	[tilespmem:$0x740] =	vst v0  }
0x8f: {  	[tilespmem:$0x750] =	vst v0  }
0x90: {  	[tilespmem:$0x760] =	vst v0  }
0x91: {  	[tilespmem:$0x770] =	vst v0  }
0x92: {  	[tilespmem:$0x780] =	vst v0  }
0x93: {  	[tilespmem:$0x790] =	vst v0  }
0x94: {  	[tilespmem:$0x7A0] =	vst v0  }
0x95: {  	[tilespmem:$0x7B0] =	vst v0  }
0x96: {  	[tilespmem:$0x7C0] =	vst v0  }
0x97: {  	[tilespmem:$0x7D0] =	vst v0  }
0x98: {  	[tilespmem:$0x7E0] =	vst v0  }
0x99: {  	[tilespmem:$0x7F0] =	vst v0  }
0x9a: {  	[tilespmem:$0x800] =	vst v0  }
0x9b: {  	[tilespmem:$0x810] =	vst v0  }
0x9c: {  	[tilespmem:$0x820] =	vst v0  }
0x9d: {  	[tilespmem:$0x830] =	vst v0  }
0x9e: {  	[tilespmem:$0x840] =	vst v0  }
0x9f: {  	[tilespmem:$0x850] =	vst v0  }
0xa0: {  	[tilespmem:$0x860] =	vst v0  }
0xa1: {  	[tilespmem:$0x870] =	vst v0  }
0xa2: {  	[tilespmem:$0x880] =	vst v0  }
0xa3: {  	[tilespmem:$0x890] =	vst v0  }
0xa4: {  	[tilespmem:$0x8A0] =	vst v0  }
0xa5: {  	[tilespmem:$0x8B0] =	vst v0  }
0xa6: {  	[tilespmem:$0x8C0] =	vst v0  }
0xa7: {  	[tilespmem:$0x8D0] =	vst v0  }
0xa8: {  	[tilespmem:$0x8E0] =	vst v0  }
0xa9: {  	[tilespmem:$0x8F0] =	vst v0  }
0xaa: {  	[tilespmem:$0x900] =	vst v0  }
0xab: {  	[tilespmem:$0x910] =	vst v0  }
0xac: {  	[tilespmem:$0x920] =	vst v0  }
0xad: {  	[tilespmem:$0x930] =	vst v0  }
0xae: {  	[tilespmem:$0x940] =	vst v0  }
0xaf: {  	[tilespmem:$0x950] =	vst v0  }
0xb0: {  	[tilespmem:$0x960] =	vst v0  }
0xb1: {  	[tilespmem:$0x970] =	vst v0  }
0xb2: {  	[tilespmem:$0x980] =	vst v0  }
0xb3: {  	[tilespmem:$0x990] =	vst v0  }
0xb4: {  	[tilespmem:$0x9A0] =	vst v0  }
0xb5: {  	[tilespmem:$0x9B0] =	vst v0  }
0xb6: {  	[tilespmem:$0x9C0] =	vst v0  }
0xb7: {  	[tilespmem:$0x9D0] =	vst v0  }
0xb8: {  	[tilespmem:$0x9E0] =	vst v0  }
0xb9: {  	[tilespmem:$0x9F0] =	vst v0  }
0xba: {  	[tilespmem:$0xA00] =	vst v0  }
0xbb: {  	[tilespmem:$0xA10] =	vst v0  }
0xbc: {  	[tilespmem:$0xA20] =	vst v0  }
0xbd: {  	[tilespmem:$0xA30] =	vst v0  }
0xbe: {  	[tilespmem:$0xA40] =	vst v0  }
0xbf: {  	[tilespmem:$0xA50] =	vst v0  }
0xc0: {  	[tilespmem:$0xA60] =	vst v0  }
0xc1: {  	[tilespmem:$0xA70] =	vst v0  }
0xc2: {  	[tilespmem:$0xA80] =	vst v0  }
0xc3: {  	[tilespmem:$0xA90] =	vst v0  }
0xc4: {  	[tilespmem:$0xAA0] =	vst v0  }
0xc5: {  	[tilespmem:$0xAB0] =	vst v0  }
0xc6: {  	[tilespmem:$0xAC0] =	vst v0  }
0xc7: {  	[tilespmem:$0xAD0] =	vst v0  }
0xc8: {  	[tilespmem:$0xAE0] =	vst v0  }
0xc9: {  	[tilespmem:$0xAF0] =	vst v0  }
0xca: {  	[tilespmem:$0xB00] =	vst v0  }
0xcb: {  	[tilespmem:$0xB10] =	vst v0  }
0xcc: {  	[tilespmem:$0xB20] =	vst v0  }
0xcd: {  	[tilespmem:$0xB30] =	vst v0  }
0xce: {  	[tilespmem:$0xB40] =	vst v0  }
0xcf: {  	[tilespmem:$0xB50] =	vst v0  }
0xd0: {  	[tilespmem:$0xB60] =	vst v0  }
0xd1: {  	[tilespmem:$0xB70] =	vst v0  }
0xd2: {  	[tilespmem:$0xB80] =	vst v0  }
0xd3: {  	[tilespmem:$0xB90] =	vst v0  }
0xd4: {  	[tilespmem:$0xBA0] =	vst v0  }
0xd5: {  	[tilespmem:$0xBB0] =	vst v0  }
0xd6: {  	[tilespmem:$0xBC0] =	vst v0  }
0xd7: {  	[tilespmem:$0xBD0] =	vst v0  }
0xd8: {  	[tilespmem:$0xBE0] =	vst v0  }
0xd9: {  	[tilespmem:$0xBF0] =	vst v0  }
0xda: {  	[tilespmem:$0xC00] =	vst v0  }
0xdb: {  	[tilespmem:$0xC10] =	vst v0  }
0xdc: {  	[tilespmem:$0xC20] =	vst v0  }
0xdd: {  	[tilespmem:$0xC30] =	vst v0  }
0xde: {  	[tilespmem:$0xC40] =	vst v0  }
0xdf: {  	[tilespmem:$0xC50] =	vst v0  }
0xe0: {  	[tilespmem:$0xC60] =	vst v0  }
0xe1: {  	[tilespmem:$0xC70] =	vst v0  }
0xe2: {  	[tilespmem:$0xC80] =	vst v0  }
0xe3: {  	[tilespmem:$0xC90] =	vst v0  }
0xe4: {  	[tilespmem:$0xCA0] =	vst v0  }
0xe5: {  	[tilespmem:$0xCB0] =	vst v0  }
0xe6: {  	[tilespmem:$0xCC0] =	vst v0  }
0xe7: {  	[tilespmem:$0xCD0] =	vst v0  }
0xe8: {  	[tilespmem:$0xCE0] =	vst v0  }
0xe9: {  	[tilespmem:$0xCF0] =	vst v0  }
0xea: {  	[tilespmem:$0xD00] =	vst v0  }
0xeb: {  	[tilespmem:$0xD10] =	vst v0  }
0xec: {  	[tilespmem:$0xD20] =	vst v0  }
0xed: {  	[tilespmem:$0xD30] =	vst v0  }
0xee: {  	[tilespmem:$0xD40] =	vst v0  }
0xef: {  	[tilespmem:$0xD50] =	vst v0  }
0xf0: {  	[tilespmem:$0xD60] =	vst v0  }
0xf1: {  	[tilespmem:$0xD70] =	vst v0  }
0xf2: {  	[tilespmem:$0xD80] =	vst v0  }
0xf3: {  	[tilespmem:$0xD90] =	vst v0  }
0xf4: {  	[tilespmem:$0xDA0] =	vst v0  }
0xf5: {  	[tilespmem:$0xDB0] =	vst v0  }
0xf6: {  	[tilespmem:$0xDC0] =	vst v0  }
0xf7: {  	[tilespmem:$0xDD0] =	vst v0  }
0xf8: {  	[tilespmem:$0xDE0] =	vst v0  }
0xf9: {  	[tilespmem:$0xDF0] =	vst v0  }
0xfa: {  	[tilespmem:$0xE00] =	vst v0  }
0xfb: {  	[tilespmem:$0xE10] =	vst v0  }
0xfc: {  	[tilespmem:$0xE20] =	vst v0  }
0xfd: {  	[tilespmem:$0xE30] =	vst v0  }
0xfe: {  	[tilespmem:$0xE40] =	vst v0  }
0xff: {  	[tilespmem:$0xE50] =	vst v0  }
0x100: {  	[tilespmem:$0xE60] =	vst v0  }
0x101: {  	[tilespmem:$0xE70] =	vst v0  }
0x102: {  	[tilespmem:$0xE80] =	vst v0  }
0x103: {  	[tilespmem:$0xE90] =	vst v0  }
0x104: {  	[tilespmem:$0xEA0] =	vst v0  }
0x105: {  	[tilespmem:$0xEB0] =	vst v0  }
0x106: {  	[tilespmem:$0xEC0] =	vst v0  }
0x107: {  	[tilespmem:$0xED0] =	vst v0  }
0x108: {  	[tilespmem:$0xEE0] =	vst v0  }
0x109: {  	[tilespmem:$0xEF0] =	vst v0  }
0x10a: {  	[tilespmem:$0xF00] =	vst v0  }
0x10b: {  	[tilespmem:$0xF10] =	vst v0  }
0x10c: {  	[tilespmem:$0xF20] =	vst v0  }
0x10d: {  	[tilespmem:$0xF30] =	vst v0  }
0x10e: {  	[tilespmem:$0xF40] =	vst v0  }
0x10f: {  	[tilespmem:$0xF50] =	vst v0  }
0x110: {  	[tilespmem:$0xF60] =	vst v0  }
0x111: {  	[tilespmem:$0xF70] =	vst v0  }
0x112: {  	[tilespmem:$0xF80] =	vst v0  }
0x113: {  	[tilespmem:$0xF90] =	vst v0  }
0x114: {  	[tilespmem:$0xFA0] =	vst v0  }
0x115: {  	[tilespmem:$0xFB0] =	vst v0  }
0x116: {  	[tilespmem:$0xFC0] =	vst v0  }
0x117: {  	[tilespmem:$0xFD0] =	vst v0  }
0x118: {  	[tilespmem:$0xFE0] =	vst v0  }
0x119: {  	[tilespmem:$0xFF0] =	vst v0  }
0x11a: {  	[tilespmem:$0x1000] =	vst v1  }
0x11b: {  	[tilespmem:$0x1010] =	vst v1  }
0x11c: {  	[tilespmem:$0x1020] =	vst v1  }
0x11d: {  	[tilespmem:$0x1030] =	vst v1  }
0x11e: {  	[tilespmem:$0x1040] =	vst v1  }
0x11f: {  	[tilespmem:$0x1050] =	vst v1  }
0x120: {  	[tilespmem:$0x1060] =	vst v1  }
0x121: {  	[tilespmem:$0x1070] =	vst v1  }
0x122: {  	[spmem:s4] =	stream.linear.scatter [tilespmem:s3], [sflag:$0x1], $0x1000, $0x38;
	[tilespmem:$0x108C0] =	vst v63  }
0x123: {  	_ =	swait.ge [sflag:s0], $0x1000  }
0x124: {  	[sflag:s0] =	ssyncset.done $0x0  }
0x125: {  	s14 =	rddreg [dreg:$0x4];
	[sflag:s0] =	ssyncadd.s32 $0xFFFFF000  }
0x126: {  	[spmem:s14] =	stream.linear.scatter [tilespmem:s3], [sflag:$0x1], $0x1000, $0x38;
	[tilespmem:$0x108C0] =	vst v63  }
0x127: {  	_ =	swait.ge [sflag:s0], $0x1000  }
0x128: {  	[sflag:s0] =	ssyncset.done $0x0  }
0x129: {  	s14 =	rddreg [dreg:$0x5];
	[sflag:s0] =	ssyncadd.s32 $0xFFFFF000  }
0x12a: {  	[spmem:s14] =	stream.linear.scatter [tilespmem:s3], [sflag:$0x1], $0x1000, $0x38;
	[tilespmem:$0x108C0] =	vst v63  }
0x12b: {  	_ =	swait.ge [sflag:s0], $0x1000  }
0x12c: {  	[sflag:s0] =	ssyncset.done $0x0  }
0x12d: {  	s14 =	rddreg [dreg:$0x6];
	[sflag:s0] =	ssyncadd.s32 $0xFFFFF000  }
0x12e: {  	[spmem:s14] =	stream.linear.scatter [tilespmem:s3], [sflag:$0x1], $0x1000, $0x38;
	[tilespmem:$0x108C0] =	vst v63  }
0x12f: {  	_ =	swait.ge [sflag:s0], $0x1000  }
0x130: {  	[sflag:s0] =	ssyncset.done $0x0  }
0x131: {  	s14 =	rddreg [dreg:$0x7];
	[sflag:s0] =	ssyncadd.s32 $0xFFFFF000  }
0x132: {  	[spmem:s14] =	stream.linear.scatter [tilespmem:s3], [sflag:$0x1], $0x1000, $0x38;
	[tilespmem:$0x108C0] =	vst v63  }
0x133: {  	_ =	swait.ge [sflag:s0], $0x1000  }
0x134: {  	[sflag:s0] =	ssyncset.done $0x0  }
0x135: {  	s14 =	rddreg [dreg:$0x8];
	[sflag:s0] =	ssyncadd.s32 $0xFFFFF000  }
0x136: {  	[spmem:s14] =	stream.linear.scatter [tilespmem:s3], [sflag:$0x1], $0x1000, $0x38;
	[tilespmem:$0x108C0] =	vst v63  }
0x137: {  	_ =	swait.ge [sflag:s0], $0x1000  }
0x138: {  	[sflag:s0] =	ssyncset.done $0x0  }
0x139: {  	s14 =	rddreg [dreg:$0x9];
	[sflag:s0] =	ssyncadd.s32 $0xFFFFF000  }
0x13a: {  	[spmem:s14] =	stream.linear.scatter [tilespmem:s3], [sflag:$0x1], $0x1000, $0x38;
	[tilespmem:$0x108C0] =	vst v63  }
0x13b: {  	_ =	swait.ge [sflag:s0], $0x1000  }
0x13c: {  	[sflag:s0] =	ssyncset.done $0x0  }
0x13d: {  	s14 =	rddreg [dreg:$0xa];
	[sflag:s0] =	ssyncadd.s32 $0xFFFFF000  }
0x13e: {  	[spmem:s14] =	stream.linear.scatter [tilespmem:s3], [sflag:$0x1], $0x1000, $0x38;
	[tilespmem:$0x108C0] =	vst v63  }
0x13f: {  	_ =	swait.ge [sflag:s0], $0x1000  }
0x140: {  	[sflag:s0] =	ssyncset.done $0x0  }
0x141: {  	s14 =	rddreg [dreg:$0xb];
	[sflag:s0] =	ssyncadd.s32 $0xFFFFF000  }
0x142: {  	[spmem:s14] =	stream.linear.scatter [tilespmem:s3], [sflag:$0x1], $0x1000, $0x38;
	[tilespmem:$0x108C0] =	vst v63  }
0x143: {  	_ =	swait.ge [sflag:s0], $0x1000  }
0x144: {  	[sflag:s0] =	ssyncset.done $0x0  }
0x145: {  	s14 =	rddreg [dreg:$0xc];
	[sflag:s0] =	ssyncadd.s32 $0xFFFFF000  }
0x146: {  	[spmem:s14] =	stream.linear.scatter [tilespmem:s3], [sflag:$0x1], $0x1000, $0x38;
	[tilespmem:$0x108C0] =	vst v63  }
0x147: {  	_ =	swait.ge [sflag:s0], $0x1000  }
0x148: {  	[sflag:s0] =	ssyncset.done $0x0  }
0x149: {  	s14 =	rddreg [dreg:$0xd];
	[sflag:s0] =	ssyncadd.s32 $0xFFFFF000  }
0x14a: {  	[spmem:s14] =	stream.linear.scatter [tilespmem:s3], [sflag:$0x1], $0x1000, $0x38;
	[tilespmem:$0x108C0] =	vst v63  }
0x14b: {  	_ =	swait.ge [sflag:s0], $0x1000  }
0x14c: {  	[sflag:s0] =	ssyncset.done $0x0  }
0x14d: {  	[sflag:s0] =	ssyncadd.s32 $0xFFFFF000  }
0x14e: {  	[spmem:s15] =	stream.linear.scatter [tilespmem:s3], [sflag:$0x1], $0x1000, $0x38;
	[tilespmem:$0x108C0] =	vst v63  }
0x14f: {  	_ =	swait.ge [sflag:s0], $0x1000  }
0x150: {  	[sflag:s0] =	ssyncset.done $0x0  }
0x151: {  	[sflag:s0] =	ssyncadd.s32 $0xFFFFF000  }
0x152: {  	[spmem:s16] =	stream.linear.scatter [tilespmem:s3], [sflag:$0x1], $0x1000, $0x38;
	[tilespmem:$0x108C0] =	vst v63  }
0x153: {  	_ =	swait.ge [sflag:s0], $0x1000  }
0x154: {  	[sflag:s0] =	ssyncset.done $0x0  }
0x155: {  	[sflag:s0] =	ssyncadd.s32 $0xFFFFF000  }
0x156: {  	[spmem:s17] =	stream.linear.scatter [tilespmem:s3], [sflag:$0x1], $0x1000, $0x38;
	[tilespmem:$0x108C0] =	vst v63  }
0x157: {  	_ =	swait.ge [sflag:s0], $0x1000  }
0x158: {  	[sflag:s0] =	ssyncset.done $0x0  }
0x159: {  	[sflag:s0] =	ssyncadd.s32 $0xFFFFF000  }
0x15a: {  	[spmem:s18] =	stream.linear.scatter [tilespmem:s3], [sflag:$0x1], $0x1000, $0x38;
	[tilespmem:$0x108C0] =	vst v63  }
0x15b: {  	_ =	swait.ge [sflag:s0], $0x1000  }
0x15c: {  	[sflag:s0] =	ssyncset.done $0x0  }
0x15d: {  	[sflag:s0] =	ssyncadd.s32 $0xFFFFF000  }
0x15e: {  	[spmem:s20] =	stream.linear.scatter [tilespmem:s3], [sflag:$0x1], $0x440, $0x38;
	[tilespmem:$0x108C0] =	vst v63  }
0x15f: {  	_ =	swait.ge [sflag:s0], $0x440  }
0x160: {  	[sflag:s0] =	ssyncset.done $0x0  }
0x161: {  	[sflag:s0] =	ssyncadd.s32 $0xFFFFFBC0  }
0x162: {  	[tilespmem:s1], [sflag:$0x1] =	stream.linear.gather [hbm4b:s19+s3], $0x80, $0x38;
	[tilespmem:$0x108C0] =	vst v63  }
0x163: {  	_ =	swait.ge [sflag:s0], $0x80  }
0x164: {  	[sflag:s0] =	ssyncset.done $0x0  }
0x165: {  	[sflag:s0] =	ssyncadd.s32 $0xFFFFFF80  }
0x166: {  	[tilespmem:s5], [sflag:$0x1] =	stream.linear.gather [hbm4b:s21+s3], $0x80, $0x38;
	[tilespmem:$0x108C0] =	vst v63  }
0x167: {  	_ =	swait.ge [sflag:s0], $0x80  }
0x168: {  	[sflag:s0] =	ssyncset.done $0x0  }
0x169: {  	[sflag:s0] =	ssyncadd.s32 $0xFFFFFF80  }
0x16a: {  	[tilespmem:s6], [sflag:$0x1] =	stream.linear.gather [hbm4b:s22+s3], $0x80, $0x38;
	[tilespmem:$0x108C0] =	vst v63  }
0x16b: {  	_ =	swait.ge [sflag:s0], $0x80  }
0x16c: {  	[sflag:s0] =	ssyncset.done $0x0  }
0x16d: {  	[sflag:s0] =	ssyncadd.s32 $0xFFFFFF80  }
0x16e: {  	[tilespmem:s7], [sflag:$0x1] =	stream.linear.gather [hbm4b:s26+s3], $0x80, $0x38;
	[tilespmem:$0x108C0] =	vst v63  }
0x16f: {  	_ =	swait.ge [sflag:s0], $0x80  }
0x170: {  	[sflag:s0] =	ssyncset.done $0x0  }
0x171: {  	[sflag:s0] =	ssyncadd.s32 $0xFFFFFF80  }
0x172: {  	[tilespmem:s8], [sflag:$0x1] =	stream.linear.gather [hbm4b:s28+s3], $0x80, $0x38;
	[tilespmem:$0x108C0] =	vst v63  }
0x173: {  	_ =	swait.ge [sflag:s0], $0x80  }
0x174: {  	[sflag:s0] =	ssyncset.done $0x0  }
0x175: {  	[sflag:s0] =	ssyncadd.s32 $0xFFFFFF80  }
0x176: {  	[tilespmem:s9], [sflag:$0x1] =	stream.linear.gather [hbm4b:s29+s3], $0x80, $0x38;
	[tilespmem:$0x108C0] =	vst v63  }
0x177: {  	_ =	swait.ge [sflag:s0], $0x80  }
0x178: {  	[sflag:s0] =	ssyncset.done $0x0  }
0x179: {  	[sflag:s0] =	ssyncadd.s32 $0xFFFFFF80  }
0x17a: {  	[tilespmem:s10], [sflag:$0x1] =	stream.linear.gather [hbm4b:s30+s3], $0x80, $0x38;
	[tilespmem:$0x108C0] =	vst v63  }
0x17b: {  	_ =	swait.ge [sflag:s0], $0x80  }
0x17c: {  	[sflag:s0] =	ssyncset.done $0x0  }
0x17d: {  	[sflag:s0] =	ssyncadd.s32 $0xFFFFFF80  }
0x17e: {  	[tilespmem:s11], [sflag:$0x1] =	stream.linear.gather [hbm4b:s31+s3], $0x80, $0x38;
	[tilespmem:$0x108C0] =	vst v63  }
0x17f: {  	_ =	swait.ge [sflag:s0], $0x80  }
0x180: {  	[sflag:s0] =	ssyncset.done $0x0  }
0x181: {  	[sflag:s0] =	ssyncadd.s32 $0xFFFFFF80  }
0x182: {  	[bflag:$0x0] =	sbarrier.arrive $0xFFFF  }
0x183: {  	[spmem:s2] =	stream.indirect.scatter.add.f32 [tilespmem:s13], [sflag:$0x1], $0x1, s1, s12, $0xb8;
	[tilespmem:$0x108C0] =	vst v63  }
0x184: {  	_ =	swait.ge [sflag:s0], $0x80  }
0x185: {  	[sflag:s0] =	ssyncset.done $0x0  }
0x186: {  	[sflag:s0] =	ssyncadd.s32 $0xFFFFFF80  }
0x187: {  	[spmem:s2] =	stream.indirect.scatter.add.f32 [tilespmem:s13], [sflag:$0x1], $0x1, s5, s12, $0xb8;
	[tilespmem:$0x108C0] =	vst v63  }
0x188: {  	_ =	swait.ge [sflag:s0], $0x80  }
0x189: {  	[sflag:s0] =	ssyncset.done $0x0  }
0x18a: {  	[sflag:s0] =	ssyncadd.s32 $0xFFFFFF80  }
0x18b: {  	[spmem:s2] =	stream.indirect.scatter.add.f32 [tilespmem:s13], [sflag:$0x1], $0x1, s6, s12, $0xb8;
	[tilespmem:$0x108C0] =	vst v63  }
0x18c: {  	_ =	swait.ge [sflag:s0], $0x80  }
0x18d: {  	[sflag:s0] =	ssyncset.done $0x0  }
0x18e: {  	[sflag:s0] =	ssyncadd.s32 $0xFFFFFF80  }
0x18f: {  	[spmem:s2] =	stream.indirect.scatter.add.f32 [tilespmem:s13], [sflag:$0x1], $0x1, s7, s12, $0xb8;
	[tilespmem:$0x108C0] =	vst v63  }
0x190: {  	_ =	swait.ge [sflag:s0], $0x80  }
0x191: {  	[sflag:s0] =	ssyncset.done $0x0  }
0x192: {  	[sflag:s0] =	ssyncadd.s32 $0xFFFFFF80  }
0x193: {  	[spmem:s2] =	stream.indirect.scatter.add.f32 [tilespmem:s13], [sflag:$0x1], $0x1, s8, s12, $0xb8;
	[tilespmem:$0x108C0] =	vst v63  }
0x194: {  	_ =	swait.ge [sflag:s0], $0x80  }
0x195: {  	[sflag:s0] =	ssyncset.done $0x0  }
0x196: {  	[sflag:s0] =	ssyncadd.s32 $0xFFFFFF80  }
0x197: {  	[spmem:s2] =	stream.indirect.scatter.add.f32 [tilespmem:s13], [sflag:$0x1], $0x1, s9, s12, $0xb8;
	[tilespmem:$0x108C0] =	vst v63  }
0x198: {  	_ =	swait.ge [sflag:s0], $0x80  }
0x199: {  	[sflag:s0] =	ssyncset.done $0x0  }
0x19a: {  	[sflag:s0] =	ssyncadd.s32 $0xFFFFFF80  }
0x19b: {  	[spmem:s2] =	stream.indirect.scatter.add.f32 [tilespmem:s13], [sflag:$0x1], $0x1, s10, s12, $0xb8;
	[tilespmem:$0x108C0] =	vst v63  }
0x19c: {  	_ =	swait.ge [sflag:s0], $0x80  }
0x19d: {  	[sflag:s0] =	ssyncset.done $0x0  }
0x19e: {  	[sflag:s0] =	ssyncadd.s32 $0xFFFFFF80  }
0x19f: {  	[spmem:s2] =	stream.indirect.scatter.add.f32 [tilespmem:s13], [sflag:$0x1], $0x1, s11, s12, $0xb8;
	[tilespmem:$0x108C0] =	vst v63  }
0x1a0: {  	_ =	swait.ge [sflag:s0], $0x80  }
0x1a1: {  	s14 =	stileid.u32;
	[sflag:s0] =	ssyncset.done $0x0  }
0x1a2: {  	s14 =	sshll.u32 s14, $0x6;
	[sflag:s0] =	ssyncadd.s32 $0xFFFFFF80  }
0x1a3: {  	s14 =	sor.u32 $0x1C01, s14;
	[bflag:$0x0] =	sbarrier.arrive $0xFFFF  }
0x1a4: {  	[hbm:s23], [sflag:s14] =	dma.local [spmem:s25], $0x1E88  }
0x1a5: {  	_ =	swait.ge [sflag:s0], $0x1E88  }
0x1a6: {  	[sflag:s0] =	ssyncset.done $0x0  }
0x1a7: {  	[sflag:s0] =	ssyncadd.s32 $0xFFFFE178  }
.LBB2_4:
0x1a8: {  	s24 =	sadd.s32 $0xFFFFFFFF, s24  }
0x1a9: {  	p1 =	sne.s32 s24, $0x0  }
.Ltmp1:
0x1aa: {  	_ = 	snop;
	(pc) =	sbr.rel @!p1 .LBB2_5-.Ltmp1, $1  }
0x1ab: {  	_ =	sdelay $0x3  }
.LBB2_1:
.Ltmp2:
0x1ac: {  	(pc) =	sbr.rel @p0 .LBB2_3-.Ltmp2, $1  }
0x1ad: {  	_ =	sdelay $0x3  }
.Ltmp3:
0x1ae: {  	(pc) =	sbr.rel .LBB2_4-.Ltmp3, $3  }
0x1af: {  	_ = 	snop  }
0x1b0: {  	[bflag:$0x0] =	sbarrier.arrive $0xFFFF  }
0x1b1: {  	[bflag:$0x0] =	sbarrier.arrive $0xFFFF;
	_ =	sdelay $0x1  }
.LBB2_5:
0x1b2: {  	_ =	sfence.sel $0x180000  }
0x1b3: {  	[bflag:$0x0] =	sbarrier.arrive $0xFFFF  }
0x1b4: {  	_ =	strace $0x90000047  }
0x1b5: {  	s0 =	stileid.u32;
	[bflag:$0x2] =	sbarrier.arrive $0xFFFF  }
0x1b6: {  	p0 =	sne.s32 s0, $0x0;
	s0 =	rddreg [dreg:$0x3]  }
0x1b7: {  	s0 =	sadd.s32 @!p0 $0x100000, s0  }
0x1b8: {  	[sflag:s0] =	ssyncadd.tile.s32 @!p0 $0x1;
	_ =	shalt  }
.Lfunc_end2:
_tile_overlayer_lowered:
.L_overlay_start_2:
0x1b9: {  	(tag) =	ssettag $0x2  }
0x1ba: {  	s0 =	rddreg [dreg:$0x0];
	s2 =	stileid.u32  }
0x1bb: {  	s1 =	rddreg [dreg:$0x1];
	p0 =	sne.s32 s2, $0x0  }
0x1bc: {  	s3 =	rddreg [dreg:$0x2];
	[bflag:$0x3] =	sbarrier.arrive $0xFFFF;
	s2 =	simm.s32 @!p0 $0x1C01  }
0x1bd: {  	[timem:s3], [sflag:s2] =	dma.local @!p0 [hbm:s0], s1  }
0x1be: {  	s0 =	simm.s32 @!p0 $0x1  }
0x1bf: {  	_ =	swait.ge @!p0 [sflag:s0], s1  }
0x1c0: {  	s1 =	ssub.s32 @!p0 $0x0, s1;
	[sflag:s0] =	ssyncset.done @!p0 $0x0  }
0x1c1: {  	[sflag:s0] =	ssyncadd.s32 @!p0 s1  }
0x1c2: {  	[bflag:$0x3] =	sbarrier.arrive $0xFFFF  }
0x1c3: {  	_ =	shalt  }

</sc_bundles>
